<compile_context>
chip_gen: v7x
topology: tpu7x:2x2x1
jax: 0.10.2.dev20260603
libtpu: 0.0.44.dev20260713+nightly
codegen_flags: <defaults>
</compile_context>

<pallas_src>
import functools

import jax
import jax.numpy as jnp
from jax import lax
from jax.experimental import pallas as pl
from jax.experimental.pallas import tpu as pltpu
from jax.experimental.pallas import tpu_sc as plsc

NUM_G = 512
GSZ = 32
PAD_D = 16
GT = 64


def _fps_body(x_ref, y_ref, z_ref, cx_ref, cy_ref, cz_ref):
    B, N = x_ref.shape
    X = x_ref[...]
    Y = y_ref[...]
    Z = z_ref[...]
    iota_n = lax.broadcasted_iota(jnp.int32, (B, N), 1)
    iota_g = lax.broadcasted_iota(jnp.int32, (B, NUM_G), 1)

    def argmax_gather(dists):
        v, ix, gx, gy, gz = dists, iota_n, X, Y, Z
        w = N
        while w > 128:
            h = w // 2
            c = v[:, h:] > v[:, :h]
            v = jnp.where(c, v[:, h:], v[:, :h])
            ix = jnp.where(c, ix[:, h:], ix[:, :h])
            gx = jnp.where(c, gx[:, h:], gx[:, :h])
            gy = jnp.where(c, gy[:, h:], gy[:, :h])
            gz = jnp.where(c, gz[:, h:], gz[:, :h])
            w = h
        m = jnp.max(v, axis=1, keepdims=True)
        far = jnp.min(jnp.where(v == m, ix, N), axis=1, keepdims=True)
        one = (v == m) & (ix == far)
        cx = jnp.sum(jnp.where(one, gx, 0.0), axis=1, keepdims=True)
        cy = jnp.sum(jnp.where(one, gy, 0.0), axis=1, keepdims=True)
        cz = jnp.sum(jnp.where(one, gz, 0.0), axis=1, keepdims=True)
        return cx, cy, cz

    def body(i, carry):
        dists, cx, cy, cz, ax, ay, az = carry
        sel = iota_g == i
        ax = jnp.where(sel, cx, ax)
        ay = jnp.where(sel, cy, ay)
        az = jnp.where(sel, cz, az)
        dx = X - cx
        dy = Y - cy
        dz = Z - cz
        d = (dx * dx + dy * dy) + dz * dz
        dists = jnp.minimum(dists, d)
        cx, cy, cz = argmax_gather(dists)
        return dists, cx, cy, cz, ax, ay, az

    x0 = jnp.sum(jnp.where(iota_n == 0, X, 0.0), axis=1, keepdims=True)
    y0 = jnp.sum(jnp.where(iota_n == 0, Y, 0.0), axis=1, keepdims=True)
    z0 = jnp.sum(jnp.where(iota_n == 0, Z, 0.0), axis=1, keepdims=True)
    init = (jnp.full((B, N), 1e10, jnp.float32), x0, y0, z0,
            jnp.zeros((B, NUM_G), jnp.float32),
            jnp.zeros((B, NUM_G), jnp.float32),
            jnp.zeros((B, NUM_G), jnp.float32))
    _, _, _, _, ax, ay, az = lax.fori_loop(0, NUM_G, body, init)
    cx_ref[...] = ax
    cy_ref[...] = ay
    cz_ref[...] = az


def _fps(x, y, z):
    B, _ = x.shape
    out = [jax.ShapeDtypeStruct((B, NUM_G), jnp.float32)] * 3
    return pl.pallas_call(_fps_body, out_shape=out)(x, y, z)


def _knn_body(cx_ref, cy_ref, cz_ref, x_ref, y_ref, z_ref, idx_ref):
    N = x_ref.shape[-1]
    NCH = N // 128
    cx = cx_ref[0]
    cy = cy_ref[0]
    cz = cz_ref[0]
    X = x_ref[0]
    Y = y_ref[0]
    Z = z_ref[0]
    dx = cx - X
    dy = cy - Y
    dz = cz - Z
    d2 = (dx * dx + dy * dy) + dz * dz
    iota = lax.broadcasted_iota(jnp.int32, (GT, N), 1)
    for k in range(GSZ):
        mn = jnp.min(d2, axis=1, keepdims=True)
        c = d2 == mn
        j = jnp.min(jnp.where(c, iota, N), axis=1, keepdims=True)
        idx_ref[0, :, pl.ds(k, 1)] = j
        d2 = jnp.where(iota == j, jnp.inf, d2)


def _knn(cx3, cy3, cz3, x3, y3, z3):
    B = x3.shape[0]
    N = x3.shape[-1]
    cspec = pl.BlockSpec((1, GT, 1), lambda b, g: (b, g, 0))
    pspec = pl.BlockSpec((1, 1, N), lambda b, g: (b, 0, 0))
    return pl.pallas_call(
        _knn_body,
        grid=(B, NUM_G // GT),
        in_specs=[cspec, cspec, cspec, pspec, pspec, pspec],
        out_specs=pl.BlockSpec((1, GT, GSZ), lambda b, g: (b, g, 0)),
        out_shape=jax.ShapeDtypeStruct((B, NUM_G, GSZ), jnp.int32),
    )(cx3, cy3, cz3, x3, y3, z3)


_NC = 2
_NW = 32


def _gather_call(xf, yf, zf, idx2, cgx, cgy, cgz, n, bsz, rpw, gpw):
    mesh = plsc.VectorSubcoreMesh(core_axis_name="c", subcore_axis_name="s")
    wpb = _NW // bsz

    @functools.partial(
        pl.kernel, mesh=mesh,
        compiler_params=pltpu.CompilerParams(needs_layout_passes=False),
        out_type=[jax.ShapeDtypeStruct((_NW, rpw), jnp.float32)] * 3,
        scratch_types=[
            pltpu.VMEM((n,), jnp.float32),
            pltpu.VMEM((n,), jnp.float32),
            pltpu.VMEM((n,), jnp.float32),
            pltpu.VMEM((rpw,), jnp.int32),
            pltpu.VMEM((gpw,), jnp.float32),
            pltpu.VMEM((gpw,), jnp.float32),
            pltpu.VMEM((gpw,), jnp.float32),
            pltpu.VMEM((rpw,), jnp.float32),
            pltpu.VMEM((rpw,), jnp.float32),
            pltpu.VMEM((rpw,), jnp.float32),
        ],
    )
    def k(xf_h, yf_h, zf_h, idx_h, cgx_h, cgy_h, cgz_h,
          ox_h, oy_h, oz_h,
          tx, ty, tz, idx_v, cvx, cvy, cvz, ox, oy, oz):
        wid = lax.axis_index("s") * _NC + lax.axis_index("c")
        b = wid // wpb
        pltpu.sync_copy(xf_h.at[pl.ds(b * n, n)], tx)
        pltpu.sync_copy(yf_h.at[pl.ds(b * n, n)], ty)
        pltpu.sync_copy(zf_h.at[pl.ds(b * n, n)], tz)
        pltpu.sync_copy(idx_h.at[wid], idx_v)
        pltpu.sync_copy(cgx_h.at[pl.ds(wid * gpw, gpw)], cvx)
        pltpu.sync_copy(cgy_h.at[pl.ds(wid * gpw, gpw)], cvy)
        pltpu.sync_copy(cgz_h.at[pl.ds(wid * gpw, gpw)], cvz)

        def gbody(g, _):
            gs = jnp.full((16,), g, jnp.int32)
            cx = plsc.load_gather(cvx, [gs])
            cy = plsc.load_gather(cvy, [gs])
            cz = plsc.load_gather(cvz, [gs])
            for h in range(GSZ // 16):
                base = g * GSZ + h * 16
                iv = idx_v[pl.ds(base, 16)]
                ox[pl.ds(base, 16)] = plsc.load_gather(tx, [iv]) - cx
                oy[pl.ds(base, 16)] = plsc.load_gather(ty, [iv]) - cy
                oz[pl.ds(base, 16)] = plsc.load_gather(tz, [iv]) - cz
            return 0

        lax.fori_loop(0, gpw, gbody, 0)
        pltpu.sync_copy(ox, ox_h.at[wid])
        pltpu.sync_copy(oy, oy_h.at[wid])
        pltpu.sync_copy(oz, oz_h.at[wid])

    return k(xf, yf, zf, idx2, cgx, cgy, cgz)


def kernel(xyz):
    B, N, _ = xyz.shape
    x = xyz[:, :, 0]
    y = xyz[:, :, 1]
    z = xyz[:, :, 2]
    cx, cy, cz = _fps(x, y, z)
    center = jnp.stack([cx, cy, cz], axis=-1)

    idx = _knn(cx[:, :, None], cy[:, :, None], cz[:, :, None],
               x[:, None, :], y[:, None, :], z[:, None, :])

    rows = B * NUM_G * GSZ
    rpw = rows // _NW
    gpw = (B * NUM_G) // _NW
    ox, oy, oz = _gather_call(
        x.reshape(-1), y.reshape(-1), z.reshape(-1),
        idx.reshape(_NW, rpw),
        cx.reshape(-1), cy.reshape(-1), cz.reshape(-1),
        N, B, rpw, gpw)
    neighborhood = jnp.stack(
        [ox.reshape(-1), oy.reshape(-1), oz.reshape(-1)],
        axis=-1).reshape(B, NUM_G, GSZ, 3)
    return neighborhood, center

# --- scband reference (transcript-rebuilt; emitter-appended) ---
"""Pipeline reference for scband-group-2439541424181 (READ-ONLY COPY).

The authoritative reference and input builder live on the scoring server;
editing this copy changes nothing except your own understanding.
"""

import jax, jax.numpy as jnp
import numpy as np

NUM_GROUP = 512
GROUP_SIZE = 32


def fps_indices(xyz, npoint):
    # Farthest point sampling (matches pointnet2 furthest_point_sample: start at index 0)
    B, N, _ = xyz.shape
    dists0 = jnp.full((B, N), 1e10, dtype=xyz.dtype)
    farthest0 = jnp.zeros((B,), dtype=jnp.int32)

    def body(carry, _):
        dists, farthest = carry
        centroid = jnp.take_along_axis(xyz, farthest[:, None, None], axis=1)  # B,1,3
        d = jnp.sum((xyz - centroid) ** 2, axis=-1)  # B,N
        dists = jnp.minimum(dists, d)
        new_farthest = jnp.argmax(dists, axis=-1).astype(jnp.int32)
        return (dists, new_farthest), farthest

    _, idxs = jax.lax.scan(body, (dists0, farthest0), None, length=npoint)
    return jnp.transpose(idxs)  # B, npoint


def setup_inputs(seed: int = 0) -> dict:
    key = jax.random.key(seed)
    xyz = jax.random.normal(key, (8, 8192, 3), dtype=jnp.float32)
    return {"xyz": xyz}


def reference(xyz):
    B, N, _ = xyz.shape
    # center = misc.fps(xyz, num_group)  (index selection is non-differentiable)
    idx_fps = fps_indices(jax.lax.stop_gradient(xyz), NUM_GROUP)  # B,G
    center = jnp.take_along_axis(xyz, idx_fps[:, :, None], axis=1)  # B,G,3
    # _, idx = knn(xyz, center): for each center, GROUP_SIZE nearest points (ascending dist)
    d2 = jnp.sum((center[:, :, None, :] - xyz[:, None, :, :]) ** 2, axis=-1)  # B,G,N
    _, idx = jax.lax.top_k(-d2, GROUP_SIZE)  # B,G,M indices sorted by increasing distance
    # flat gather exactly as in the torch forward
    idx_base = jnp.arange(B, dtype=idx.dtype)[:, None, None] * N
    flat_idx = (idx + idx_base).reshape(-1)
    neighborhood = xyz.reshape(B * N, 3)[flat_idx, :]
    neighborhood = neighborhood.reshape(B, NUM_GROUP, GROUP_SIZE, 3)
    neighborhood = neighborhood - center[:, :, None, :]
    return neighborhood, center

if __name__ == "__main__":
    import jax
    _d = setup_inputs()
    print(jax.jit(kernel)(*tuple(_d.values())))

</pallas_src>

<mosaic_0001>
#map = affine_map<(d0, d1) -> (0)>
#map1 = affine_map<(d0, d1) -> (0, 0)>
module attributes {stable_mosaic.version = 14 : i64} {
  func.func @k(%arg0: i32, %arg1: i32, %arg2: memref<65536xf32, #tpu.memory_space<hbm>>, %arg3: memref<65536xf32, #tpu.memory_space<hbm>>, %arg4: memref<65536xf32, #tpu.memory_space<hbm>>, %arg5: memref<32x4096xi32, #tpu.memory_space<hbm>>, %arg6: memref<4096xf32, #tpu.memory_space<hbm>>, %arg7: memref<4096xf32, #tpu.memory_space<hbm>>, %arg8: memref<4096xf32, #tpu.memory_space<hbm>>, %arg9: memref<32x4096xf32, #tpu.memory_space<hbm>>, %arg10: memref<32x4096xf32, #tpu.memory_space<hbm>>, %arg11: memref<32x4096xf32, #tpu.memory_space<hbm>>, %arg12: memref<8192xf32, #tpu.memory_space<vmem>>, %arg13: memref<8192xf32, #tpu.memory_space<vmem>>, %arg14: memref<8192xf32, #tpu.memory_space<vmem>>, %arg15: memref<4096xi32, #tpu.memory_space<vmem>>, %arg16: memref<128xf32, #tpu.memory_space<vmem>>, %arg17: memref<128xf32, #tpu.memory_space<vmem>>, %arg18: memref<128xf32, #tpu.memory_space<vmem>>, %arg19: memref<4096xf32, #tpu.memory_space<vmem>>, %arg20: memref<4096xf32, #tpu.memory_space<vmem>>, %arg21: memref<4096xf32, #tpu.memory_space<vmem>>) attributes {dimension_semantics = [#tpu.dimension_semantics<core_parallel>, #tpu.dimension_semantics<subcore_parallel>], iteration_bounds = array<i64: 2, 16>, scalar_prefetch = 0 : i64, scratch_operands = 10 : i64, tpu.core_type = #tpu.core_type<sc_vector_subcore>, window_params = [{transform_indices = #map}, {transform_indices = #map}, {transform_indices = #map}, {transform_indices = #map1}, {transform_indices = #map}, {transform_indices = #map}, {transform_indices = #map}, {transform_indices = #map1}, {transform_indices = #map1}, {transform_indices = #map1}]} {
    %mul3A = arith.constant 2 : i32
    %mul3A_0 = arith.muli %arg1, %mul3A : i32
    %add3A = arith.addi %mul3A_0, %arg0 : i32
    %jit3A = arith.constant 4 : i32
    %div3A = arith.divsi %add3A, %jit3A : i32
    %sign3A = arith.constant 0 : i32
    %sign3A_1 = arith.cmpi sgt, %add3A, %sign3A : i32
    %sign3A_2 = arith.extui %sign3A_1 : i1 to i32
    %sign3A_3 = arith.constant 0 : i32
    %sign3A_4 = arith.cmpi slt, %add3A, %sign3A_3 : i32
    %sign3A_5 = arith.extui %sign3A_4 : i1 to i32
    %sign3A_6 = arith.subi %sign3A_2, %sign3A_5 : i32
    %sign3A_7 = arith.constant 0 : i32
    %sign3A_8 = arith.cmpi sgt, %jit3A, %sign3A_7 : i32
    %sign3A_9 = arith.extui %sign3A_8 : i1 to i32
    %sign3A_10 = arith.constant 0 : i32
    %sign3A_11 = arith.cmpi slt, %jit3A, %sign3A_10 : i32
    %sign3A_12 = arith.extui %sign3A_11 : i1 to i32
    %sign3A_13 = arith.subi %sign3A_9, %sign3A_12 : i32
    %ne3A = arith.cmpi ne, %sign3A_6, %sign3A_13 : i32
    %rem3A = arith.remsi %add3A, %jit3A : i32
    %ne3A_14 = arith.constant 0 : i32
    %ne3A_15 = arith.cmpi ne, %rem3A, %ne3A_14 : i32
    %and3A = arith.andi %ne3A, %ne3A_15 : i1
    %sub3A = arith.constant 1 : i32
    %sub3A_16 = arith.subi %div3A, %sub3A : i32
    %select_n3A = arith.select %and3A, %sub3A_16, %div3A : i32
    %mul3A_17 = arith.constant 8192 : i32
    %mul3A_18 = arith.muli %select_n3A, %mul3A_17 : i32
    "tpu.region"() ({
      %run_scoped3A = tpu.sem_alloc : memref<!tpu.dma_semaphore, #tpu.memory_space<semaphore_mem>>
      %dma_start3A = tpu.memref_slice %arg2[%mul3A_18] : memref<65536xf32, #tpu.memory_space<hbm>> -> memref<8192xf32, #tpu.memory_space<hbm>>
      %dma_start3A_35 = tpu.memref_slice %arg2[%mul3A_18] : memref<65536xf32, #tpu.memory_space<hbm>> -> memref<8192xf32, #tpu.memory_space<hbm>>
      tpu.enqueue_dma source(%dma_start3A_35 : memref<8192xf32, #tpu.memory_space<hbm>>) target(%arg12 : memref<8192xf32, #tpu.memory_space<vmem>>) target_semaphore(%run_scoped3A : memref<!tpu.dma_semaphore, #tpu.memory_space<semaphore_mem>>)
      %dma_wait3A = tpu.memref_slice %arg2[%mul3A_18] : memref<65536xf32, #tpu.memory_space<hbm>> -> memref<8192xf32, #tpu.memory_space<hbm>>
      %dma_wait3A_36 = tpu.memref_slice %arg2[%mul3A_18] : memref<65536xf32, #tpu.memory_space<hbm>> -> memref<8192xf32, #tpu.memory_space<hbm>>
      tpu.wait_dma2 semaphore(%run_scoped3A : memref<!tpu.dma_semaphore, #tpu.memory_space<semaphore_mem>>) src(%dma_wait3A_36 : memref<8192xf32, #tpu.memory_space<hbm>>) dst(%arg12 : memref<8192xf32, #tpu.memory_space<vmem>>)
      tpu.yield
    }) : () -> ()
    %mul3A_19 = arith.constant 8192 : i32
    %mul3A_20 = arith.muli %select_n3A, %mul3A_19 : i32
    "tpu.region"() ({
      %run_scoped3A = tpu.sem_alloc : memref<!tpu.dma_semaphore, #tpu.memory_space<semaphore_mem>>
      %dma_start3A = tpu.memref_slice %arg3[%mul3A_20] : memref<65536xf32, #tpu.memory_space<hbm>> -> memref<8192xf32, #tpu.memory_space<hbm>>
      %dma_start3A_35 = tpu.memref_slice %arg3[%mul3A_20] : memref<65536xf32, #tpu.memory_space<hbm>> -> memref<8192xf32, #tpu.memory_space<hbm>>
      tpu.enqueue_dma source(%dma_start3A_35 : memref<8192xf32, #tpu.memory_space<hbm>>) target(%arg13 : memref<8192xf32, #tpu.memory_space<vmem>>) target_semaphore(%run_scoped3A : memref<!tpu.dma_semaphore, #tpu.memory_space<semaphore_mem>>)
      %dma_wait3A = tpu.memref_slice %arg3[%mul3A_20] : memref<65536xf32, #tpu.memory_space<hbm>> -> memref<8192xf32, #tpu.memory_space<hbm>>
      %dma_wait3A_36 = tpu.memref_slice %arg3[%mul3A_20] : memref<65536xf32, #tpu.memory_space<hbm>> -> memref<8192xf32, #tpu.memory_space<hbm>>
      tpu.wait_dma2 semaphore(%run_scoped3A : memref<!tpu.dma_semaphore, #tpu.memory_space<semaphore_mem>>) src(%dma_wait3A_36 : memref<8192xf32, #tpu.memory_space<hbm>>) dst(%arg13 : memref<8192xf32, #tpu.memory_space<vmem>>)
      tpu.yield
    }) : () -> ()
    %mul3A_21 = arith.constant 8192 : i32
    %mul3A_22 = arith.muli %select_n3A, %mul3A_21 : i32
    "tpu.region"() ({
      %run_scoped3A = tpu.sem_alloc : memref<!tpu.dma_semaphore, #tpu.memory_space<semaphore_mem>>
      %dma_start3A = tpu.memref_slice %arg4[%mul3A_22] : memref<65536xf32, #tpu.memory_space<hbm>> -> memref<8192xf32, #tpu.memory_space<hbm>>
      %dma_start3A_35 = tpu.memref_slice %arg4[%mul3A_22] : memref<65536xf32, #tpu.memory_space<hbm>> -> memref<8192xf32, #tpu.memory_space<hbm>>
      tpu.enqueue_dma source(%dma_start3A_35 : memref<8192xf32, #tpu.memory_space<hbm>>) target(%arg14 : memref<8192xf32, #tpu.memory_space<vmem>>) target_semaphore(%run_scoped3A : memref<!tpu.dma_semaphore, #tpu.memory_space<semaphore_mem>>)
      %dma_wait3A = tpu.memref_slice %arg4[%mul3A_22] : memref<65536xf32, #tpu.memory_space<hbm>> -> memref<8192xf32, #tpu.memory_space<hbm>>
      %dma_wait3A_36 = tpu.memref_slice %arg4[%mul3A_22] : memref<65536xf32, #tpu.memory_space<hbm>> -> memref<8192xf32, #tpu.memory_space<hbm>>
      tpu.wait_dma2 semaphore(%run_scoped3A : memref<!tpu.dma_semaphore, #tpu.memory_space<semaphore_mem>>) src(%dma_wait3A_36 : memref<8192xf32, #tpu.memory_space<hbm>>) dst(%arg14 : memref<8192xf32, #tpu.memory_space<vmem>>)
      tpu.yield
    }) : () -> ()
    "tpu.region"() ({
      %run_scoped3A = tpu.sem_alloc : memref<!tpu.dma_semaphore, #tpu.memory_space<semaphore_mem>>
      %dma_start3A = arith.constant 0 : i32
      %dma_start3A_35 = tpu.memref_slice %arg5[%add3A, %dma_start3A] : memref<32x4096xi32, #tpu.memory_space<hbm>> -> memref<1x4096xi32, #tpu.memory_space<hbm>>
      %dma_start3A_36 = tpu.memref_squeeze %dma_start3A_35 : memref<1x4096xi32, #tpu.memory_space<hbm>> -> memref<4096xi32, #tpu.memory_space<hbm>>
      %dma_start3A_37 = arith.constant 0 : i32
      %dma_start3A_38 = tpu.memref_slice %arg5[%add3A, %dma_start3A_37] : memref<32x4096xi32, #tpu.memory_space<hbm>> -> memref<1x4096xi32, #tpu.memory_space<hbm>>
      %dma_start3A_39 = tpu.memref_squeeze %dma_start3A_38 : memref<1x4096xi32, #tpu.memory_space<hbm>> -> memref<4096xi32, #tpu.memory_space<hbm>>
      tpu.enqueue_dma source(%dma_start3A_39 : memref<4096xi32, #tpu.memory_space<hbm>>) target(%arg15 : memref<4096xi32, #tpu.memory_space<vmem>>) target_semaphore(%run_scoped3A : memref<!tpu.dma_semaphore, #tpu.memory_space<semaphore_mem>>)
      %dma_wait3A = arith.constant 0 : i32
      %dma_wait3A_40 = tpu.memref_slice %arg5[%add3A, %dma_wait3A] : memref<32x4096xi32, #tpu.memory_space<hbm>> -> memref<1x4096xi32, #tpu.memory_space<hbm>>
      %dma_wait3A_41 = tpu.memref_squeeze %dma_wait3A_40 : memref<1x4096xi32, #tpu.memory_space<hbm>> -> memref<4096xi32, #tpu.memory_space<hbm>>
      %dma_wait3A_42 = arith.constant 0 : i32
      %dma_wait3A_43 = tpu.memref_slice %arg5[%add3A, %dma_wait3A_42] : memref<32x4096xi32, #tpu.memory_space<hbm>> -> memref<1x4096xi32, #tpu.memory_space<hbm>>
      %dma_wait3A_44 = tpu.memref_squeeze %dma_wait3A_43 : memref<1x4096xi32, #tpu.memory_space<hbm>> -> memref<4096xi32, #tpu.memory_space<hbm>>
      tpu.wait_dma2 semaphore(%run_scoped3A : memref<!tpu.dma_semaphore, #tpu.memory_space<semaphore_mem>>) src(%dma_wait3A_44 : memref<4096xi32, #tpu.memory_space<hbm>>) dst(%arg15 : memref<4096xi32, #tpu.memory_space<vmem>>)
      tpu.yield
    }) : () -> ()
    %mul3A_23 = arith.constant 128 : i32
    %mul3A_24 = arith.muli %add3A, %mul3A_23 : i32
    "tpu.region"() ({
      %run_scoped3A = tpu.sem_alloc : memref<!tpu.dma_semaphore, #tpu.memory_space<semaphore_mem>>
      %dma_start3A = tpu.memref_slice %arg6[%mul3A_24] : memref<4096xf32, #tpu.memory_space<hbm>> -> memref<128xf32, #tpu.memory_space<hbm>>
      %dma_start3A_35 = tpu.memref_slice %arg6[%mul3A_24] : memref<4096xf32, #tpu.memory_space<hbm>> -> memref<128xf32, #tpu.memory_space<hbm>>
      tpu.enqueue_dma source(%dma_start3A_35 : memref<128xf32, #tpu.memory_space<hbm>>) target(%arg16 : memref<128xf32, #tpu.memory_space<vmem>>) target_semaphore(%run_scoped3A : memref<!tpu.dma_semaphore, #tpu.memory_space<semaphore_mem>>)
      %dma_wait3A = tpu.memref_slice %arg6[%mul3A_24] : memref<4096xf32, #tpu.memory_space<hbm>> -> memref<128xf32, #tpu.memory_space<hbm>>
      %dma_wait3A_36 = tpu.memref_slice %arg6[%mul3A_24] : memref<4096xf32, #tpu.memory_space<hbm>> -> memref<128xf32, #tpu.memory_space<hbm>>
      tpu.wait_dma2 semaphore(%run_scoped3A : memref<!tpu.dma_semaphore, #tpu.memory_space<semaphore_mem>>) src(%dma_wait3A_36 : memref<128xf32, #tpu.memory_space<hbm>>) dst(%arg16 : memref<128xf32, #tpu.memory_space<vmem>>)
      tpu.yield
    }) : () -> ()
    %mul3A_25 = arith.constant 128 : i32
    %mul3A_26 = arith.muli %add3A, %mul3A_25 : i32
    "tpu.region"() ({
      %run_scoped3A = tpu.sem_alloc : memref<!tpu.dma_semaphore, #tpu.memory_space<semaphore_mem>>
      %dma_start3A = tpu.memref_slice %arg7[%mul3A_26] : memref<4096xf32, #tpu.memory_space<hbm>> -> memref<128xf32, #tpu.memory_space<hbm>>
      %dma_start3A_35 = tpu.memref_slice %arg7[%mul3A_26] : memref<4096xf32, #tpu.memory_space<hbm>> -> memref<128xf32, #tpu.memory_space<hbm>>
      tpu.enqueue_dma source(%dma_start3A_35 : memref<128xf32, #tpu.memory_space<hbm>>) target(%arg17 : memref<128xf32, #tpu.memory_space<vmem>>) target_semaphore(%run_scoped3A : memref<!tpu.dma_semaphore, #tpu.memory_space<semaphore_mem>>)
      %dma_wait3A = tpu.memref_slice %arg7[%mul3A_26] : memref<4096xf32, #tpu.memory_space<hbm>> -> memref<128xf32, #tpu.memory_space<hbm>>
      %dma_wait3A_36 = tpu.memref_slice %arg7[%mul3A_26] : memref<4096xf32, #tpu.memory_space<hbm>> -> memref<128xf32, #tpu.memory_space<hbm>>
      tpu.wait_dma2 semaphore(%run_scoped3A : memref<!tpu.dma_semaphore, #tpu.memory_space<semaphore_mem>>) src(%dma_wait3A_36 : memref<128xf32, #tpu.memory_space<hbm>>) dst(%arg17 : memref<128xf32, #tpu.memory_space<vmem>>)
      tpu.yield
    }) : () -> ()
    %mul3A_27 = arith.constant 128 : i32
    %mul3A_28 = arith.muli %add3A, %mul3A_27 : i32
    "tpu.region"() ({
      %run_scoped3A = tpu.sem_alloc : memref<!tpu.dma_semaphore, #tpu.memory_space<semaphore_mem>>
      %dma_start3A = tpu.memref_slice %arg8[%mul3A_28] : memref<4096xf32, #tpu.memory_space<hbm>> -> memref<128xf32, #tpu.memory_space<hbm>>
      %dma_start3A_35 = tpu.memref_slice %arg8[%mul3A_28] : memref<4096xf32, #tpu.memory_space<hbm>> -> memref<128xf32, #tpu.memory_space<hbm>>
      tpu.enqueue_dma source(%dma_start3A_35 : memref<128xf32, #tpu.memory_space<hbm>>) target(%arg18 : memref<128xf32, #tpu.memory_space<vmem>>) target_semaphore(%run_scoped3A : memref<!tpu.dma_semaphore, #tpu.memory_space<semaphore_mem>>)
      %dma_wait3A = tpu.memref_slice %arg8[%mul3A_28] : memref<4096xf32, #tpu.memory_space<hbm>> -> memref<128xf32, #tpu.memory_space<hbm>>
      %dma_wait3A_36 = tpu.memref_slice %arg8[%mul3A_28] : memref<4096xf32, #tpu.memory_space<hbm>> -> memref<128xf32, #tpu.memory_space<hbm>>
      tpu.wait_dma2 semaphore(%run_scoped3A : memref<!tpu.dma_semaphore, #tpu.memory_space<semaphore_mem>>) src(%dma_wait3A_36 : memref<128xf32, #tpu.memory_space<hbm>>) dst(%arg18 : memref<128xf32, #tpu.memory_space<vmem>>)
      tpu.yield
    }) : () -> ()
    %scan3A = arith.constant 0 : i32
    %scan3A_29 = arith.constant 0 : i32
    %scan3A_30 = arith.constant 128 : i32
    %scan3A_31 = arith.addi %scan3A_29, %scan3A_30 : i32
    %scan3A_32 = arith.constant 1 : i32
    %scan3A_33 = scf.for %scan3A_35 = %scan3A_29 to %scan3A_31 step %scan3A_32 iter_args(%scan3A_36 = %scan3A) -> (i32)  : i32 {
      %broadcast_in_dim3A = vector.broadcast %scan3A_35 : i32 to vector<16xi32>
      %gather3A = tpu.vector_load_idx %arg16[%broadcast_in_dim3A] : memref<128xf32, #tpu.memory_space<vmem>>[vector<16xi32>], vector<16xf32>,
      %gather3A_37 = tpu.vector_load_idx %arg17[%broadcast_in_dim3A] : memref<128xf32, #tpu.memory_space<vmem>>[vector<16xi32>], vector<16xf32>,
      %gather3A_38 = tpu.vector_load_idx %arg18[%broadcast_in_dim3A] : memref<128xf32, #tpu.memory_space<vmem>>[vector<16xi32>], vector<16xf32>,
      %mul3A_39 = arith.constant 32 : i32
      %mul3A_40 = arith.muli %scan3A_35, %mul3A_39 : i32
      %add3A_41 = arith.constant 0 : i32
      %add3A_42 = arith.addi %mul3A_40, %add3A_41 : i32
      %get3A = arith.index_cast %add3A_42 : i32 to index
      %get3A_43 = tpu.vector_load %arg15[%get3A] {strides = array<i32>} : memref<4096xi32, #tpu.memory_space<vmem>>, vector<16xi32>,
      %gather3A_44 = tpu.vector_load_idx %arg12[%get3A_43] : memref<8192xf32, #tpu.memory_space<vmem>>[vector<16xi32>], vector<16xf32>,
      %sub3A_45 = arith.subf %gather3A_44, %gather3A : vector<16xf32>
      %swap3A = arith.index_cast %add3A_42 : i32 to index
      %swap3A_46 = tpu.vector_load %arg19[%swap3A] {strides = array<i32>} : memref<4096xf32, #tpu.memory_space<vmem>>, vector<16xf32>,
      tpu.vector_store %arg19[%swap3A], %sub3A_45 {strides = array<i32>} : memref<4096xf32, #tpu.memory_space<vmem>>, vector<16xf32>,
      %gather3A_47 = tpu.vector_load_idx %arg13[%get3A_43] : memref<8192xf32, #tpu.memory_space<vmem>>[vector<16xi32>], vector<16xf32>,
      %sub3A_48 = arith.subf %gather3A_47, %gather3A_37 : vector<16xf32>
      %swap3A_49 = arith.index_cast %add3A_42 : i32 to index
      %swap3A_50 = tpu.vector_load %arg20[%swap3A_49] {strides = array<i32>} : memref<4096xf32, #tpu.memory_space<vmem>>, vector<16xf32>,
      tpu.vector_store %arg20[%swap3A_49], %sub3A_48 {strides = array<i32>} : memref<4096xf32, #tpu.memory_space<vmem>>, vector<16xf32>,
      %gather3A_51 = tpu.vector_load_idx %arg14[%get3A_43] : memref<8192xf32, #tpu.memory_space<vmem>>[vector<16xi32>], vector<16xf32>,
      %sub3A_52 = arith.subf %gather3A_51, %gather3A_38 : vector<16xf32>
      %swap3A_53 = arith.index_cast %add3A_42 : i32 to index
      %swap3A_54 = tpu.vector_load %arg21[%swap3A_53] {strides = array<i32>} : memref<4096xf32, #tpu.memory_space<vmem>>, vector<16xf32>,
      tpu.vector_store %arg21[%swap3A_53], %sub3A_52 {strides = array<i32>} : memref<4096xf32, #tpu.memory_space<vmem>>, vector<16xf32>,
      %mul3A_55 = arith.constant 32 : i32
      %mul3A_56 = arith.muli %scan3A_35, %mul3A_55 : i32
      %add3A_57 = arith.constant 16 : i32
      %add3A_58 = arith.addi %mul3A_56, %add3A_57 : i32
      %get3A_59 = arith.index_cast %add3A_58 : i32 to index
      %get3A_60 = tpu.vector_load %arg15[%get3A_59] {strides = array<i32>} : memref<4096xi32, #tpu.memory_space<vmem>>, vector<16xi32>,
      %gather3A_61 = tpu.vector_load_idx %arg12[%get3A_60] : memref<8192xf32, #tpu.memory_space<vmem>>[vector<16xi32>], vector<16xf32>,
      %sub3A_62 = arith.subf %gather3A_61, %gather3A : vector<16xf32>
      %swap3A_63 = arith.index_cast %add3A_58 : i32 to index
      %swap3A_64 = tpu.vector_load %arg19[%swap3A_63] {strides = array<i32>} : memref<4096xf32, #tpu.memory_space<vmem>>, vector<16xf32>,
      tpu.vector_store %arg19[%swap3A_63], %sub3A_62 {strides = array<i32>} : memref<4096xf32, #tpu.memory_space<vmem>>, vector<16xf32>,
      %gather3A_65 = tpu.vector_load_idx %arg13[%get3A_60] : memref<8192xf32, #tpu.memory_space<vmem>>[vector<16xi32>], vector<16xf32>,
      %sub3A_66 = arith.subf %gather3A_65, %gather3A_37 : vector<16xf32>
      %swap3A_67 = arith.index_cast %add3A_58 : i32 to index
      %swap3A_68 = tpu.vector_load %arg20[%swap3A_67] {strides = array<i32>} : memref<4096xf32, #tpu.memory_space<vmem>>, vector<16xf32>,
      tpu.vector_store %arg20[%swap3A_67], %sub3A_66 {strides = array<i32>} : memref<4096xf32, #tpu.memory_space<vmem>>, vector<16xf32>,
      %gather3A_69 = tpu.vector_load_idx %arg14[%get3A_60] : memref<8192xf32, #tpu.memory_space<vmem>>[vector<16xi32>], vector<16xf32>,
      %sub3A_70 = arith.subf %gather3A_69, %gather3A_38 : vector<16xf32>
      %swap3A_71 = arith.index_cast %add3A_58 : i32 to index
      %swap3A_72 = tpu.vector_load %arg21[%swap3A_71] {strides = array<i32>} : memref<4096xf32, #tpu.memory_space<vmem>>, vector<16xf32>,
      tpu.vector_store %arg21[%swap3A_71], %sub3A_70 {strides = array<i32>} : memref<4096xf32, #tpu.memory_space<vmem>>, vector<16xf32>,
      %scan3A_73 = arith.constant 0 : i32
      scf.yield %scan3A_73 : i32
    }
    %scan3A_34 = arith.constant 128 : i32
    "tpu.region"() ({
      %run_scoped3A = tpu.sem_alloc : memref<!tpu.dma_semaphore, #tpu.memory_space<semaphore_mem>>
      %dma_start3A = arith.constant 0 : i32
      %dma_start3A_35 = tpu.memref_slice %arg9[%add3A, %dma_start3A] : memref<32x4096xf32, #tpu.memory_space<hbm>> -> memref<1x4096xf32, #tpu.memory_space<hbm>>
      %dma_start3A_36 = tpu.memref_squeeze %dma_start3A_35 : memref<1x4096xf32, #tpu.memory_space<hbm>> -> memref<4096xf32, #tpu.memory_space<hbm>>
      %dma_start3A_37 = arith.constant 0 : i32
      %dma_start3A_38 = tpu.memref_slice %arg9[%add3A, %dma_start3A_37] : memref<32x4096xf32, #tpu.memory_space<hbm>> -> memref<1x4096xf32, #tpu.memory_space<hbm>>
      %dma_start3A_39 = tpu.memref_squeeze %dma_start3A_38 : memref<1x4096xf32, #tpu.memory_space<hbm>> -> memref<4096xf32, #tpu.memory_space<hbm>>
      tpu.enqueue_dma source(%arg19 : memref<4096xf32, #tpu.memory_space<vmem>>) target(%dma_start3A_39 : memref<4096xf32, #tpu.memory_space<hbm>>) target_semaphore(%run_scoped3A : memref<!tpu.dma_semaphore, #tpu.memory_space<semaphore_mem>>)
      %dma_wait3A = arith.constant 0 : i32
      %dma_wait3A_40 = tpu.memref_slice %arg9[%add3A, %dma_wait3A] : memref<32x4096xf32, #tpu.memory_space<hbm>> -> memref<1x4096xf32, #tpu.memory_space<hbm>>
      %dma_wait3A_41 = tpu.memref_squeeze %dma_wait3A_40 : memref<1x4096xf32, #tpu.memory_space<hbm>> -> memref<4096xf32, #tpu.memory_space<hbm>>
      %dma_wait3A_42 = arith.constant 0 : i32
      %dma_wait3A_43 = tpu.memref_slice %arg9[%add3A, %dma_wait3A_42] : memref<32x4096xf32, #tpu.memory_space<hbm>> -> memref<1x4096xf32, #tpu.memory_space<hbm>>
      %dma_wait3A_44 = tpu.memref_squeeze %dma_wait3A_43 : memref<1x4096xf32, #tpu.memory_space<hbm>> -> memref<4096xf32, #tpu.memory_space<hbm>>
      tpu.wait_dma2 semaphore(%run_scoped3A : memref<!tpu.dma_semaphore, #tpu.memory_space<semaphore_mem>>) src(%arg19 : memref<4096xf32, #tpu.memory_space<vmem>>) dst(%dma_wait3A_44 : memref<4096xf32, #tpu.memory_space<hbm>>)
      tpu.yield
    }) : () -> ()
    "tpu.region"() ({
      %run_scoped3A = tpu.sem_alloc : memref<!tpu.dma_semaphore, #tpu.memory_space<semaphore_mem>>
      %dma_start3A = arith.constant 0 : i32
      %dma_start3A_35 = tpu.memref_slice %arg10[%add3A, %dma_start3A] : memref<32x4096xf32, #tpu.memory_space<hbm>> -> memref<1x4096xf32, #tpu.memory_space<hbm>>
      %dma_start3A_36 = tpu.memref_squeeze %dma_start3A_35 : memref<1x4096xf32, #tpu.memory_space<hbm>> -> memref<4096xf32, #tpu.memory_space<hbm>>
      %dma_start3A_37 = arith.constant 0 : i32
      %dma_start3A_38 = tpu.memref_slice %arg10[%add3A, %dma_start3A_37] : memref<32x4096xf32, #tpu.memory_space<hbm>> -> memref<1x4096xf32, #tpu.memory_space<hbm>>
      %dma_start3A_39 = tpu.memref_squeeze %dma_start3A_38 : memref<1x4096xf32, #tpu.memory_space<hbm>> -> memref<4096xf32, #tpu.memory_space<hbm>>
      tpu.enqueue_dma source(%arg20 : memref<4096xf32, #tpu.memory_space<vmem>>) target(%dma_start3A_39 : memref<4096xf32, #tpu.memory_space<hbm>>) target_semaphore(%run_scoped3A : memref<!tpu.dma_semaphore, #tpu.memory_space<semaphore_mem>>)
      %dma_wait3A = arith.constant 0 : i32
      %dma_wait3A_40 = tpu.memref_slice %arg10[%add3A, %dma_wait3A] : memref<32x4096xf32, #tpu.memory_space<hbm>> -> memref<1x4096xf32, #tpu.memory_space<hbm>>
      %dma_wait3A_41 = tpu.memref_squeeze %dma_wait3A_40 : memref<1x4096xf32, #tpu.memory_space<hbm>> -> memref<4096xf32, #tpu.memory_space<hbm>>
      %dma_wait3A_42 = arith.constant 0 : i32
      %dma_wait3A_43 = tpu.memref_slice %arg10[%add3A, %dma_wait3A_42] : memref<32x4096xf32, #tpu.memory_space<hbm>> -> memref<1x4096xf32, #tpu.memory_space<hbm>>
      %dma_wait3A_44 = tpu.memref_squeeze %dma_wait3A_43 : memref<1x4096xf32, #tpu.memory_space<hbm>> -> memref<4096xf32, #tpu.memory_space<hbm>>
      tpu.wait_dma2 semaphore(%run_scoped3A : memref<!tpu.dma_semaphore, #tpu.memory_space<semaphore_mem>>) src(%arg20 : memref<4096xf32, #tpu.memory_space<vmem>>) dst(%dma_wait3A_44 : memref<4096xf32, #tpu.memory_space<hbm>>)
      tpu.yield
    }) : () -> ()
    "tpu.region"() ({
      %run_scoped3A = tpu.sem_alloc : memref<!tpu.dma_semaphore, #tpu.memory_space<semaphore_mem>>
      %dma_start3A = arith.constant 0 : i32
      %dma_start3A_35 = tpu.memref_slice %arg11[%add3A, %dma_start3A] : memref<32x4096xf32, #tpu.memory_space<hbm>> -> memref<1x4096xf32, #tpu.memory_space<hbm>>
      %dma_start3A_36 = tpu.memref_squeeze %dma_start3A_35 : memref<1x4096xf32, #tpu.memory_space<hbm>> -> memref<4096xf32, #tpu.memory_space<hbm>>
      %dma_start3A_37 = arith.constant 0 : i32
      %dma_start3A_38 = tpu.memref_slice %arg11[%add3A, %dma_start3A_37] : memref<32x4096xf32, #tpu.memory_space<hbm>> -> memref<1x4096xf32, #tpu.memory_space<hbm>>
      %dma_start3A_39 = tpu.memref_squeeze %dma_start3A_38 : memref<1x4096xf32, #tpu.memory_space<hbm>> -> memref<4096xf32, #tpu.memory_space<hbm>>
      tpu.enqueue_dma source(%arg21 : memref<4096xf32, #tpu.memory_space<vmem>>) target(%dma_start3A_39 : memref<4096xf32, #tpu.memory_space<hbm>>) target_semaphore(%run_scoped3A : memref<!tpu.dma_semaphore, #tpu.memory_space<semaphore_mem>>)
      %dma_wait3A = arith.constant 0 : i32
      %dma_wait3A_40 = tpu.memref_slice %arg11[%add3A, %dma_wait3A] : memref<32x4096xf32, #tpu.memory_space<hbm>> -> memref<1x4096xf32, #tpu.memory_space<hbm>>
      %dma_wait3A_41 = tpu.memref_squeeze %dma_wait3A_40 : memref<1x4096xf32, #tpu.memory_space<hbm>> -> memref<4096xf32, #tpu.memory_space<hbm>>
      %dma_wait3A_42 = arith.constant 0 : i32
      %dma_wait3A_43 = tpu.memref_slice %arg11[%add3A, %dma_wait3A_42] : memref<32x4096xf32, #tpu.memory_space<hbm>> -> memref<1x4096xf32, #tpu.memory_space<hbm>>
      %dma_wait3A_44 = tpu.memref_squeeze %dma_wait3A_43 : memref<1x4096xf32, #tpu.memory_space<hbm>> -> memref<4096xf32, #tpu.memory_space<hbm>>
      tpu.wait_dma2 semaphore(%run_scoped3A : memref<!tpu.dma_semaphore, #tpu.memory_space<semaphore_mem>>) src(%arg21 : memref<4096xf32, #tpu.memory_space<vmem>>) dst(%dma_wait3A_44 : memref<4096xf32, #tpu.memory_space<hbm>>)
      tpu.yield
    }) : () -> ()
    return
  }
}

module attributes {stable_mosaic.version = 14 : i64} {
  func.func @_fps_body(%arg0: memref<8x8192xf32, #tpu.memory_space<vmem>>, %arg1: memref<8x8192xf32, #tpu.memory_space<vmem>>, %arg2: memref<8x8192xf32, #tpu.memory_space<vmem>>, %arg3: memref<8x512xf32, #tpu.memory_space<vmem>>, %arg4: memref<8x512xf32, #tpu.memory_space<vmem>>, %arg5: memref<8x512xf32, #tpu.memory_space<vmem>>) attributes {dimension_semantics = [], scalar_prefetch = 0 : i64, scratch_operands = 0 : i64, tpu.core_type = #tpu.core_type<tc>} {
    %get3A = arith.constant 0 : index
    %get3A_0 = arith.constant 0 : index
    %get3A_1 = vector.load %arg0[%get3A, %get3A_0] : memref<8x8192xf32, #tpu.memory_space<vmem>>, vector<8x8192xf32>
    %get3A_2 = arith.constant 0 : index
    %get3A_3 = arith.constant 0 : index
    %get3A_4 = vector.load %arg1[%get3A_2, %get3A_3] : memref<8x8192xf32, #tpu.memory_space<vmem>>, vector<8x8192xf32>
    %get3A_5 = arith.constant 0 : index
    %get3A_6 = arith.constant 0 : index
    %get3A_7 = vector.load %arg2[%get3A_5, %get3A_6] : memref<8x8192xf32, #tpu.memory_space<vmem>>, vector<8x8192xf32>
    %iota3A = tpu.iota {dimensions = array<i32: 1>} : vector<8x8192xi32>
    %iota3A_8 = tpu.iota {dimensions = array<i32: 1>} : vector<8x512xi32>
    %eq3A = arith.constant 0 : i32
    %eq3A_9 = vector.broadcast %eq3A : i32 to vector<8x8192xi32>
    %eq3A_10 = arith.cmpi eq, %iota3A, %eq3A_9 : vector<8x8192xi32>
    %jit3A = arith.constant 0.000000e+00 : f32
    %broadcast_in_dim3A = vector.broadcast %jit3A : f32 to vector<8x8192xf32>
    %select_n3A = arith.select %eq3A_10, %get3A_1, %broadcast_in_dim3A : vector<8x8192xi1>, vector<8x8192xf32>
    %reduce_sum3A = arith.constant dense<0.000000e+00> : vector<8xf32>
    %reduce_sum3A_11 = vector.multi_reduction <add>, %select_n3A, %reduce_sum3A [1] : vector<8x8192xf32> to vector<8xf32>
    %broadcast_in_dim3A_12 = vector.shape_cast %reduce_sum3A_11 : vector<8xf32> to vector<8x1xf32>
    %eq3A_13 = arith.constant 0 : i32
    %eq3A_14 = vector.broadcast %eq3A_13 : i32 to vector<8x8192xi32>
    %eq3A_15 = arith.cmpi eq, %iota3A, %eq3A_14 : vector<8x8192xi32>
    %jit3A_16 = arith.constant 0.000000e+00 : f32
    %broadcast_in_dim3A_17 = vector.broadcast %jit3A_16 : f32 to vector<8x8192xf32>
    %select_n3A_18 = arith.select %eq3A_15, %get3A_4, %broadcast_in_dim3A_17 : vector<8x8192xi1>, vector<8x8192xf32>
    %reduce_sum3A_19 = arith.constant dense<0.000000e+00> : vector<8xf32>
    %reduce_sum3A_20 = vector.multi_reduction <add>, %select_n3A_18, %reduce_sum3A_19 [1] : vector<8x8192xf32> to vector<8xf32>
    %broadcast_in_dim3A_21 = vector.shape_cast %reduce_sum3A_20 : vector<8xf32> to vector<8x1xf32>
    %eq3A_22 = arith.constant 0 : i32
    %eq3A_23 = vector.broadcast %eq3A_22 : i32 to vector<8x8192xi32>
    %eq3A_24 = arith.cmpi eq, %iota3A, %eq3A_23 : vector<8x8192xi32>
    %jit3A_25 = arith.constant 0.000000e+00 : f32
    %broadcast_in_dim3A_26 = vector.broadcast %jit3A_25 : f32 to vector<8x8192xf32>
    %select_n3A_27 = arith.select %eq3A_24, %get3A_7, %broadcast_in_dim3A_26 : vector<8x8192xi1>, vector<8x8192xf32>
    %reduce_sum3A_28 = arith.constant dense<0.000000e+00> : vector<8xf32>
    %reduce_sum3A_29 = vector.multi_reduction <add>, %select_n3A_27, %reduce_sum3A_28 [1] : vector<8x8192xf32> to vector<8xf32>
    %broadcast_in_dim3A_30 = vector.shape_cast %reduce_sum3A_29 : vector<8xf32> to vector<8x1xf32>
    %broadcast_in_dim3A_31 = arith.constant 1.000000e+10 : f32
    %broadcast_in_dim3A_32 = vector.broadcast %broadcast_in_dim3A_31 : f32 to vector<8x8192xf32>
    %broadcast_in_dim3A_33 = arith.constant 0.000000e+00 : f32
    %broadcast_in_dim3A_34 = vector.broadcast %broadcast_in_dim3A_33 : f32 to vector<8x512xf32>
    %broadcast_in_dim3A_35 = arith.constant 0.000000e+00 : f32
    %broadcast_in_dim3A_36 = vector.broadcast %broadcast_in_dim3A_35 : f32 to vector<8x512xf32>
    %broadcast_in_dim3A_37 = arith.constant 0.000000e+00 : f32
    %broadcast_in_dim3A_38 = vector.broadcast %broadcast_in_dim3A_37 : f32 to vector<8x512xf32>
    %scan3A = arith.constant 0 : i32
    %scan3A_39 = arith.constant 512 : i32
    %scan3A_40 = arith.addi %scan3A, %scan3A_39 : i32
    %scan3A_41 = arith.constant 1 : i32
    %scan3A_42:7 = scf.for %scan3A_52 = %scan3A to %scan3A_40 step %scan3A_41 iter_args(%scan3A_53 = %broadcast_in_dim3A_32, %scan3A_54 = %broadcast_in_dim3A_12, %scan3A_55 = %broadcast_in_dim3A_21, %scan3A_56 = %broadcast_in_dim3A_30, %scan3A_57 = %broadcast_in_dim3A_34, %scan3A_58 = %broadcast_in_dim3A_36, %scan3A_59 = %broadcast_in_dim3A_38) -> (vector<8x8192xf32>, vector<8x1xf32>, vector<8x1xf32>, vector<8x1xf32>, vector<8x512xf32>, vector<8x512xf32>, vector<8x512xf32>)  : i32 {
      %eq3A_60 = vector.broadcast %scan3A_52 : i32 to vector<8x512xi32>
      %eq3A_61 = arith.cmpi eq, %iota3A_8, %eq3A_60 : vector<8x512xi32>
      %broadcast_in_dim3A_62 = vector.shape_cast %scan3A_54 : vector<8x1xf32> to vector<8x1xf32>
      %broadcast_in_dim3A_63 = vector.broadcast %broadcast_in_dim3A_62 : vector<8x1xf32> to vector<8x512xf32>
      %select_n3A_64 = arith.select %eq3A_61, %broadcast_in_dim3A_63, %scan3A_57 : vector<8x512xi1>, vector<8x512xf32>
      %broadcast_in_dim3A_65 = vector.shape_cast %scan3A_55 : vector<8x1xf32> to vector<8x1xf32>
      %broadcast_in_dim3A_66 = vector.broadcast %broadcast_in_dim3A_65 : vector<8x1xf32> to vector<8x512xf32>
      %select_n3A_67 = arith.select %eq3A_61, %broadcast_in_dim3A_66, %scan3A_58 : vector<8x512xi1>, vector<8x512xf32>
      %broadcast_in_dim3A_68 = vector.shape_cast %scan3A_56 : vector<8x1xf32> to vector<8x1xf32>
      %broadcast_in_dim3A_69 = vector.broadcast %broadcast_in_dim3A_68 : vector<8x1xf32> to vector<8x512xf32>
      %select_n3A_70 = arith.select %eq3A_61, %broadcast_in_dim3A_69, %scan3A_59 : vector<8x512xi1>, vector<8x512xf32>
      %sub3A = vector.broadcast %scan3A_54 : vector<8x1xf32> to vector<8x8192xf32>
      %sub3A_71 = arith.subf %get3A_1, %sub3A : vector<8x8192xf32>
      %sub3A_72 = vector.broadcast %scan3A_55 : vector<8x1xf32> to vector<8x8192xf32>
      %sub3A_73 = arith.subf %get3A_4, %sub3A_72 : vector<8x8192xf32>
      %sub3A_74 = vector.broadcast %scan3A_56 : vector<8x1xf32> to vector<8x8192xf32>
      %sub3A_75 = arith.subf %get3A_7, %sub3A_74 : vector<8x8192xf32>
      %mul3A = arith.mulf %sub3A_71, %sub3A_71 : vector<8x8192xf32>
      %mul3A_76 = arith.mulf %sub3A_73, %sub3A_73 : vector<8x8192xf32>
      %add3A = arith.addf %mul3A, %mul3A_76 : vector<8x8192xf32>
      %mul3A_77 = arith.mulf %sub3A_75, %sub3A_75 : vector<8x8192xf32>
      %add3A_78 = arith.addf %add3A, %mul3A_77 : vector<8x8192xf32>
      %min3A = arith.minimumf %scan3A_53, %add3A_78 : vector<8x8192xf32>
      %slice3A = vector.extract_strided_slice %min3A {offsets = [0, 4096], sizes = [8, 4096], strides = [1, 1]} : vector<8x8192xf32> to vector<8x4096xf32>
      %slice3A_79 = vector.extract_strided_slice %min3A {offsets = [0, 0], sizes = [8, 4096], strides = [1, 1]} : vector<8x8192xf32> to vector<8x4096xf32>
      %gt3A = arith.cmpf ogt, %slice3A, %slice3A_79 : vector<8x4096xf32>
      %slice3A_80 = vector.extract_strided_slice %min3A {offsets = [0, 4096], sizes = [8, 4096], strides = [1, 1]} : vector<8x8192xf32> to vector<8x4096xf32>
      %slice3A_81 = vector.extract_strided_slice %min3A {offsets = [0, 0], sizes = [8, 4096], strides = [1, 1]} : vector<8x8192xf32> to vector<8x4096xf32>
      %select_n3A_82 = arith.select %gt3A, %slice3A_80, %slice3A_81 : vector<8x4096xi1>, vector<8x4096xf32>
      %slice3A_83 = vector.extract_strided_slice %iota3A {offsets = [0, 4096], sizes = [8, 4096], strides = [1, 1]} : vector<8x8192xi32> to vector<8x4096xi32>
      %slice3A_84 = vector.extract_strided_slice %iota3A {offsets = [0, 0], sizes = [8, 4096], strides = [1, 1]} : vector<8x8192xi32> to vector<8x4096xi32>
      %select_n3A_85 = arith.select %gt3A, %slice3A_83, %slice3A_84 : vector<8x4096xi1>, vector<8x4096xi32>
      %slice3A_86 = vector.extract_strided_slice %get3A_1 {offsets = [0, 4096], sizes = [8, 4096], strides = [1, 1]} : vector<8x8192xf32> to vector<8x4096xf32>
      %slice3A_87 = vector.extract_strided_slice %get3A_1 {offsets = [0, 0], sizes = [8, 4096], strides = [1, 1]} : vector<8x8192xf32> to vector<8x4096xf32>
      %select_n3A_88 = arith.select %gt3A, %slice3A_86, %slice3A_87 : vector<8x4096xi1>, vector<8x4096xf32>
      %slice3A_89 = vector.extract_strided_slice %get3A_4 {offsets = [0, 4096], sizes = [8, 4096], strides = [1, 1]} : vector<8x8192xf32> to vector<8x4096xf32>
      %slice3A_90 = vector.extract_strided_slice %get3A_4 {offsets = [0, 0], sizes = [8, 4096], strides = [1, 1]} : vector<8x8192xf32> to vector<8x4096xf32>
      %select_n3A_91 = arith.select %gt3A, %slice3A_89, %slice3A_90 : vector<8x4096xi1>, vector<8x4096xf32>
      %slice3A_92 = vector.extract_strided_slice %get3A_7 {offsets = [0, 4096], sizes = [8, 4096], strides = [1, 1]} : vector<8x8192xf32> to vector<8x4096xf32>
      %slice3A_93 = vector.extract_strided_slice %get3A_7 {offsets = [0, 0], sizes = [8, 4096], strides = [1, 1]} : vector<8x8192xf32> to vector<8x4096xf32>
      %select_n3A_94 = arith.select %gt3A, %slice3A_92, %slice3A_93 : vector<8x4096xi1>, vector<8x4096xf32>
      %slice3A_95 = vector.extract_strided_slice %select_n3A_82 {offsets = [0, 2048], sizes = [8, 2048], strides = [1, 1]} : vector<8x4096xf32> to vector<8x2048xf32>
      %slice3A_96 = vector.extract_strided_slice %select_n3A_82 {offsets = [0, 0], sizes = [8, 2048], strides = [1, 1]} : vector<8x4096xf32> to vector<8x2048xf32>
      %gt3A_97 = arith.cmpf ogt, %slice3A_95, %slice3A_96 : vector<8x2048xf32>
      %slice3A_98 = vector.extract_strided_slice %select_n3A_82 {offsets = [0, 2048], sizes = [8, 2048], strides = [1, 1]} : vector<8x4096xf32> to vector<8x2048xf32>
      %slice3A_99 = vector.extract_strided_slice %select_n3A_82 {offsets = [0, 0], sizes = [8, 2048], strides = [1, 1]} : vector<8x4096xf32> to vector<8x2048xf32>
      %select_n3A_100 = arith.select %gt3A_97, %slice3A_98, %slice3A_99 : vector<8x2048xi1>, vector<8x2048xf32>
      %slice3A_101 = vector.extract_strided_slice %select_n3A_85 {offsets = [0, 2048], sizes = [8, 2048], strides = [1, 1]} : vector<8x4096xi32> to vector<8x2048xi32>
      %slice3A_102 = vector.extract_strided_slice %select_n3A_85 {offsets = [0, 0], sizes = [8, 2048], strides = [1, 1]} : vector<8x4096xi32> to vector<8x2048xi32>
      %select_n3A_103 = arith.select %gt3A_97, %slice3A_101, %slice3A_102 : vector<8x2048xi1>, vector<8x2048xi32>
      %slice3A_104 = vector.extract_strided_slice %select_n3A_88 {offsets = [0, 2048], sizes = [8, 2048], strides = [1, 1]} : vector<8x4096xf32> to vector<8x2048xf32>
      %slice3A_105 = vector.extract_strided_slice %select_n3A_88 {offsets = [0, 0], sizes = [8, 2048], strides = [1, 1]} : vector<8x4096xf32> to vector<8x2048xf32>
      %select_n3A_106 = arith.select %gt3A_97, %slice3A_104, %slice3A_105 : vector<8x2048xi1>, vector<8x2048xf32>
      %slice3A_107 = vector.extract_strided_slice %select_n3A_91 {offsets = [0, 2048], sizes = [8, 2048], strides = [1, 1]} : vector<8x4096xf32> to vector<8x2048xf32>
      %slice3A_108 = vector.extract_strided_slice %select_n3A_91 {offsets = [0, 0], sizes = [8, 2048], strides = [1, 1]} : vector<8x4096xf32> to vector<8x2048xf32>
      %select_n3A_109 = arith.select %gt3A_97, %slice3A_107, %slice3A_108 : vector<8x2048xi1>, vector<8x2048xf32>
      %slice3A_110 = vector.extract_strided_slice %select_n3A_94 {offsets = [0, 2048], sizes = [8, 2048], strides = [1, 1]} : vector<8x4096xf32> to vector<8x2048xf32>
      %slice3A_111 = vector.extract_strided_slice %select_n3A_94 {offsets = [0, 0], sizes = [8, 2048], strides = [1, 1]} : vector<8x4096xf32> to vector<8x2048xf32>
      %select_n3A_112 = arith.select %gt3A_97, %slice3A_110, %slice3A_111 : vector<8x2048xi1>, vector<8x2048xf32>
      %slice3A_113 = vector.extract_strided_slice %select_n3A_100 {offsets = [0, 1024], sizes = [8, 1024], strides = [1, 1]} : vector<8x2048xf32> to vector<8x1024xf32>
      %slice3A_114 = vector.extract_strided_slice %select_n3A_100 {offsets = [0, 0], sizes = [8, 1024], strides = [1, 1]} : vector<8x2048xf32> to vector<8x1024xf32>
      %gt3A_115 = arith.cmpf ogt, %slice3A_113, %slice3A_114 : vector<8x1024xf32>
      %slice3A_116 = vector.extract_strided_slice %select_n3A_100 {offsets = [0, 1024], sizes = [8, 1024], strides = [1, 1]} : vector<8x2048xf32> to vector<8x1024xf32>
      %slice3A_117 = vector.extract_strided_slice %select_n3A_100 {offsets = [0, 0], sizes = [8, 1024], strides = [1, 1]} : vector<8x2048xf32> to vector<8x1024xf32>
      %select_n3A_118 = arith.select %gt3A_115, %slice3A_116, %slice3A_117 : vector<8x1024xi1>, vector<8x1024xf32>
      %slice3A_119 = vector.extract_strided_slice %select_n3A_103 {offsets = [0, 1024], sizes = [8, 1024], strides = [1, 1]} : vector<8x2048xi32> to vector<8x1024xi32>
      %slice3A_120 = vector.extract_strided_slice %select_n3A_103 {offsets = [0, 0], sizes = [8, 1024], strides = [1, 1]} : vector<8x2048xi32> to vector<8x1024xi32>
      %select_n3A_121 = arith.select %gt3A_115, %slice3A_119, %slice3A_120 : vector<8x1024xi1>, vector<8x1024xi32>
      %slice3A_122 = vector.extract_strided_slice %select_n3A_106 {offsets = [0, 1024], sizes = [8, 1024], strides = [1, 1]} : vector<8x2048xf32> to vector<8x1024xf32>
      %slice3A_123 = vector.extract_strided_slice %select_n3A_106 {offsets = [0, 0], sizes = [8, 1024], strides = [1, 1]} : vector<8x2048xf32> to vector<8x1024xf32>
      %select_n3A_124 = arith.select %gt3A_115, %slice3A_122, %slice3A_123 : vector<8x1024xi1>, vector<8x1024xf32>
      %slice3A_125 = vector.extract_strided_slice %select_n3A_109 {offsets = [0, 1024], sizes = [8, 1024], strides = [1, 1]} : vector<8x2048xf32> to vector<8x1024xf32>
      %slice3A_126 = vector.extract_strided_slice %select_n3A_109 {offsets = [0, 0], sizes = [8, 1024], strides = [1, 1]} : vector<8x2048xf32> to vector<8x1024xf32>
      %select_n3A_127 = arith.select %gt3A_115, %slice3A_125, %slice3A_126 : vector<8x1024xi1>, vector<8x1024xf32>
      %slice3A_128 = vector.extract_strided_slice %select_n3A_112 {offsets = [0, 1024], sizes = [8, 1024], strides = [1, 1]} : vector<8x2048xf32> to vector<8x1024xf32>
      %slice3A_129 = vector.extract_strided_slice %select_n3A_112 {offsets = [0, 0], sizes = [8, 1024], strides = [1, 1]} : vector<8x2048xf32> to vector<8x1024xf32>
      %select_n3A_130 = arith.select %gt3A_115, %slice3A_128, %slice3A_129 : vector<8x1024xi1>, vector<8x1024xf32>
      %slice3A_131 = vector.extract_strided_slice %select_n3A_118 {offsets = [0, 512], sizes = [8, 512], strides = [1, 1]} : vector<8x1024xf32> to vector<8x512xf32>
      %slice3A_132 = vector.extract_strided_slice %select_n3A_118 {offsets = [0, 0], sizes = [8, 512], strides = [1, 1]} : vector<8x1024xf32> to vector<8x512xf32>
      %gt3A_133 = arith.cmpf ogt, %slice3A_131, %slice3A_132 : vector<8x512xf32>
      %slice3A_134 = vector.extract_strided_slice %select_n3A_118 {offsets = [0, 512], sizes = [8, 512], strides = [1, 1]} : vector<8x1024xf32> to vector<8x512xf32>
      %slice3A_135 = vector.extract_strided_slice %select_n3A_118 {offsets = [0, 0], sizes = [8, 512], strides = [1, 1]} : vector<8x1024xf32> to vector<8x512xf32>
      %select_n3A_136 = arith.select %gt3A_133, %slice3A_134, %slice3A_135 : vector<8x512xi1>, vector<8x512xf32>
      %slice3A_137 = vector.extract_strided_slice %select_n3A_121 {offsets = [0, 512], sizes = [8, 512], strides = [1, 1]} : vector<8x1024xi32> to vector<8x512xi32>
      %slice3A_138 = vector.extract_strided_slice %select_n3A_121 {offsets = [0, 0], sizes = [8, 512], strides = [1, 1]} : vector<8x1024xi32> to vector<8x512xi32>
      %select_n3A_139 = arith.select %gt3A_133, %slice3A_137, %slice3A_138 : vector<8x512xi1>, vector<8x512xi32>
      %slice3A_140 = vector.extract_strided_slice %select_n3A_124 {offsets = [0, 512], sizes = [8, 512], strides = [1, 1]} : vector<8x1024xf32> to vector<8x512xf32>
      %slice3A_141 = vector.extract_strided_slice %select_n3A_124 {offsets = [0, 0], sizes = [8, 512], strides = [1, 1]} : vector<8x1024xf32> to vector<8x512xf32>
      %select_n3A_142 = arith.select %gt3A_133, %slice3A_140, %slice3A_141 : vector<8x512xi1>, vector<8x512xf32>
      %slice3A_143 = vector.extract_strided_slice %select_n3A_127 {offsets = [0, 512], sizes = [8, 512], strides = [1, 1]} : vector<8x1024xf32> to vector<8x512xf32>
      %slice3A_144 = vector.extract_strided_slice %select_n3A_127 {offsets = [0, 0], sizes = [8, 512], strides = [1, 1]} : vector<8x1024xf32> to vector<8x512xf32>
      %select_n3A_145 = arith.select %gt3A_133, %slice3A_143, %slice3A_144 : vector<8x512xi1>, vector<8x512xf32>
      %slice3A_146 = vector.extract_strided_slice %select_n3A_130 {offsets = [0, 512], sizes = [8, 512], strides = [1, 1]} : vector<8x1024xf32> to vector<8x512xf32>
      %slice3A_147 = vector.extract_strided_slice %select_n3A_130 {offsets = [0, 0], sizes = [8, 512], strides = [1, 1]} : vector<8x1024xf32> to vector<8x512xf32>
      %select_n3A_148 = arith.select %gt3A_133, %slice3A_146, %slice3A_147 : vector<8x512xi1>, vector<8x512xf32>
      %slice3A_149 = vector.extract_strided_slice %select_n3A_136 {offsets = [0, 256], sizes = [8, 256], strides = [1, 1]} : vector<8x512xf32> to vector<8x256xf32>
      %slice3A_150 = vector.extract_strided_slice %select_n3A_136 {offsets = [0, 0], sizes = [8, 256], strides = [1, 1]} : vector<8x512xf32> to vector<8x256xf32>
      %gt3A_151 = arith.cmpf ogt, %slice3A_149, %slice3A_150 : vector<8x256xf32>
      %slice3A_152 = vector.extract_strided_slice %select_n3A_136 {offsets = [0, 256], sizes = [8, 256], strides = [1, 1]} : vector<8x512xf32> to vector<8x256xf32>
      %slice3A_153 = vector.extract_strided_slice %select_n3A_136 {offsets = [0, 0], sizes = [8, 256], strides = [1, 1]} : vector<8x512xf32> to vector<8x256xf32>
      %select_n3A_154 = arith.select %gt3A_151, %slice3A_152, %slice3A_153 : vector<8x256xi1>, vector<8x256xf32>
      %slice3A_155 = vector.extract_strided_slice %select_n3A_139 {offsets = [0, 256], sizes = [8, 256], strides = [1, 1]} : vector<8x512xi32> to vector<8x256xi32>
      %slice3A_156 = vector.extract_strided_slice %select_n3A_139 {offsets = [0, 0], sizes = [8, 256], strides = [1, 1]} : vector<8x512xi32> to vector<8x256xi32>
      %select_n3A_157 = arith.select %gt3A_151, %slice3A_155, %slice3A_156 : vector<8x256xi1>, vector<8x256xi32>
      %slice3A_158 = vector.extract_strided_slice %select_n3A_142 {offsets = [0, 256], sizes = [8, 256], strides = [1, 1]} : vector<8x512xf32> to vector<8x256xf32>
      %slice3A_159 = vector.extract_strided_slice %select_n3A_142 {offsets = [0, 0], sizes = [8, 256], strides = [1, 1]} : vector<8x512xf32> to vector<8x256xf32>
      %select_n3A_160 = arith.select %gt3A_151, %slice3A_158, %slice3A_159 : vector<8x256xi1>, vector<8x256xf32>
      %slice3A_161 = vector.extract_strided_slice %select_n3A_145 {offsets = [0, 256], sizes = [8, 256], strides = [1, 1]} : vector<8x512xf32> to vector<8x256xf32>
      %slice3A_162 = vector.extract_strided_slice %select_n3A_145 {offsets = [0, 0], sizes = [8, 256], strides = [1, 1]} : vector<8x512xf32> to vector<8x256xf32>
      %select_n3A_163 = arith.select %gt3A_151, %slice3A_161, %slice3A_162 : vector<8x256xi1>, vector<8x256xf32>
      %slice3A_164 = vector.extract_strided_slice %select_n3A_148 {offsets = [0, 256], sizes = [8, 256], strides = [1, 1]} : vector<8x512xf32> to vector<8x256xf32>
      %slice3A_165 = vector.extract_strided_slice %select_n3A_148 {offsets = [0, 0], sizes = [8, 256], strides = [1, 1]} : vector<8x512xf32> to vector<8x256xf32>
      %select_n3A_166 = arith.select %gt3A_151, %slice3A_164, %slice3A_165 : vector<8x256xi1>, vector<8x256xf32>
      %slice3A_167 = vector.extract_strided_slice %select_n3A_154 {offsets = [0, 128], sizes = [8, 128], strides = [1, 1]} : vector<8x256xf32> to vector<8x128xf32>
      %slice3A_168 = vector.extract_strided_slice %select_n3A_154 {offsets = [0, 0], sizes = [8, 128], strides = [1, 1]} : vector<8x256xf32> to vector<8x128xf32>
      %gt3A_169 = arith.cmpf ogt, %slice3A_167, %slice3A_168 : vector<8x128xf32>
      %slice3A_170 = vector.extract_strided_slice %select_n3A_154 {offsets = [0, 128], sizes = [8, 128], strides = [1, 1]} : vector<8x256xf32> to vector<8x128xf32>
      %slice3A_171 = vector.extract_strided_slice %select_n3A_154 {offsets = [0, 0], sizes = [8, 128], strides = [1, 1]} : vector<8x256xf32> to vector<8x128xf32>
      %select_n3A_172 = arith.select %gt3A_169, %slice3A_170, %slice3A_171 : vector<8x128xi1>, vector<8x128xf32>
      %slice3A_173 = vector.extract_strided_slice %select_n3A_157 {offsets = [0, 128], sizes = [8, 128], strides = [1, 1]} : vector<8x256xi32> to vector<8x128xi32>
      %slice3A_174 = vector.extract_strided_slice %select_n3A_157 {offsets = [0, 0], sizes = [8, 128], strides = [1, 1]} : vector<8x256xi32> to vector<8x128xi32>
      %select_n3A_175 = arith.select %gt3A_169, %slice3A_173, %slice3A_174 : vector<8x128xi1>, vector<8x128xi32>
      %slice3A_176 = vector.extract_strided_slice %select_n3A_160 {offsets = [0, 128], sizes = [8, 128], strides = [1, 1]} : vector<8x256xf32> to vector<8x128xf32>
      %slice3A_177 = vector.extract_strided_slice %select_n3A_160 {offsets = [0, 0], sizes = [8, 128], strides = [1, 1]} : vector<8x256xf32> to vector<8x128xf32>
      %select_n3A_178 = arith.select %gt3A_169, %slice3A_176, %slice3A_177 : vector<8x128xi1>, vector<8x128xf32>
      %slice3A_179 = vector.extract_strided_slice %select_n3A_163 {offsets = [0, 128], sizes = [8, 128], strides = [1, 1]} : vector<8x256xf32> to vector<8x128xf32>
      %slice3A_180 = vector.extract_strided_slice %select_n3A_163 {offsets = [0, 0], sizes = [8, 128], strides = [1, 1]} : vector<8x256xf32> to vector<8x128xf32>
      %select_n3A_181 = arith.select %gt3A_169, %slice3A_179, %slice3A_180 : vector<8x128xi1>, vector<8x128xf32>
      %slice3A_182 = vector.extract_strided_slice %select_n3A_166 {offsets = [0, 128], sizes = [8, 128], strides = [1, 1]} : vector<8x256xf32> to vector<8x128xf32>
      %slice3A_183 = vector.extract_strided_slice %select_n3A_166 {offsets = [0, 0], sizes = [8, 128], strides = [1, 1]} : vector<8x256xf32> to vector<8x128xf32>
      %select_n3A_184 = arith.select %gt3A_169, %slice3A_182, %slice3A_183 : vector<8x128xi1>, vector<8x128xf32>
      %reduce_max3A = arith.constant dense<0xFF800000> : vector<8xf32>
      %reduce_max3A_185 = vector.multi_reduction <maximumf>, %select_n3A_172, %reduce_max3A [1] : vector<8x128xf32> to vector<8xf32>
      %broadcast_in_dim3A_186 = vector.shape_cast %reduce_max3A_185 : vector<8xf32> to vector<8x1xf32>
      %eq3A_187 = vector.broadcast %broadcast_in_dim3A_186 : vector<8x1xf32> to vector<8x128xf32>
      %eq3A_188 = arith.cmpf oeq, %select_n3A_172, %eq3A_187 : vector<8x128xf32>
      %jit3A_189 = arith.constant 8192 : i32
      %broadcast_in_dim3A_190 = vector.broadcast %jit3A_189 : i32 to vector<8x128xi32>
      %select_n3A_191 = arith.select %eq3A_188, %select_n3A_175, %broadcast_in_dim3A_190 : vector<8x128xi1>, vector<8x128xi32>
      %reduce_min3A = arith.constant dense<2147483647> : vector<8xi32>
      %reduce_min3A_192 = vector.multi_reduction <minsi>, %select_n3A_191, %reduce_min3A [1] : vector<8x128xi32> to vector<8xi32>
      %broadcast_in_dim3A_193 = vector.shape_cast %reduce_min3A_192 : vector<8xi32> to vector<8x1xi32>
      %eq3A_194 = vector.broadcast %broadcast_in_dim3A_186 : vector<8x1xf32> to vector<8x128xf32>
      %eq3A_195 = arith.cmpf oeq, %select_n3A_172, %eq3A_194 : vector<8x128xf32>
      %eq3A_196 = vector.broadcast %broadcast_in_dim3A_193 : vector<8x1xi32> to vector<8x128xi32>
      %eq3A_197 = arith.cmpi eq, %select_n3A_175, %eq3A_196 : vector<8x128xi32>
      %and3A = arith.andi %eq3A_195, %eq3A_197 : vector<8x128xi1>
      %jit3A_198 = arith.constant 0.000000e+00 : f32
      %broadcast_in_dim3A_199 = vector.broadcast %jit3A_198 : f32 to vector<8x128xf32>
      %select_n3A_200 = arith.select %and3A, %select_n3A_178, %broadcast_in_dim3A_199 : vector<8x128xi1>, vector<8x128xf32>
      %reduce_sum3A_201 = arith.constant dense<0.000000e+00> : vector<8xf32>
      %reduce_sum3A_202 = vector.multi_reduction <add>, %select_n3A_200, %reduce_sum3A_201 [1] : vector<8x128xf32> to vector<8xf32>
      %broadcast_in_dim3A_203 = vector.shape_cast %reduce_sum3A_202 : vector<8xf32> to vector<8x1xf32>
      %jit3A_204 = arith.constant 0.000000e+00 : f32
      %broadcast_in_dim3A_205 = vector.broadcast %jit3A_204 : f32 to vector<8x128xf32>
      %select_n3A_206 = arith.select %and3A, %select_n3A_181, %broadcast_in_dim3A_205 : vector<8x128xi1>, vector<8x128xf32>
      %reduce_sum3A_207 = arith.constant dense<0.000000e+00> : vector<8xf32>
      %reduce_sum3A_208 = vector.multi_reduction <add>, %select_n3A_206, %reduce_sum3A_207 [1] : vector<8x128xf32> to vector<8xf32>
      %broadcast_in_dim3A_209 = vector.shape_cast %reduce_sum3A_208 : vector<8xf32> to vector<8x1xf32>
      %jit3A_210 = arith.constant 0.000000e+00 : f32
      %broadcast_in_dim3A_211 = vector.broadcast %jit3A_210 : f32 to vector<8x128xf32>
      %select_n3A_212 = arith.select %and3A, %select_n3A_184, %broadcast_in_dim3A_211 : vector<8x128xi1>, vector<8x128xf32>
      %reduce_sum3A_213 = arith.constant dense<0.000000e+00> : vector<8xf32>
      %reduce_sum3A_214 = vector.multi_reduction <add>, %select_n3A_212, %reduce_sum3A_213 [1] : vector<8x128xf32> to vector<8xf32>
      %broadcast_in_dim3A_215 = vector.shape_cast %reduce_sum3A_214 : vector<8xf32> to vector<8x1xf32>
      scf.yield %min3A, %broadcast_in_dim3A_203, %broadcast_in_dim3A_209, %broadcast_in_dim3A_215, %select_n3A_64, %select_n3A_67, %select_n3A_70 : vector<8x8192xf32>, vector<8x1xf32>, vector<8x1xf32>, vector<8x1xf32>, vector<8x512xf32>, vector<8x512xf32>, vector<8x512xf32>
    }
    %scan3A_43 = arith.constant 512 : i32
    %swap3A = arith.constant 0 : index
    %swap3A_44 = arith.constant 0 : index
    %swap3A_45 = vector.load %arg3[%swap3A, %swap3A_44] : memref<8x512xf32, #tpu.memory_space<vmem>>, vector<8x512xf32>
    tpu.vector_store %arg3[%swap3A, %swap3A_44], %scan3A_42#4 {strides = array<i32>} : memref<8x512xf32, #tpu.memory_space<vmem>>, vector<8x512xf32>,
    %swap3A_46 = arith.constant 0 : index
    %swap3A_47 = arith.constant 0 : index
    %swap3A_48 = vector.load %arg4[%swap3A_46, %swap3A_47] : memref<8x512xf32, #tpu.memory_space<vmem>>, vector<8x512xf32>
    tpu.vector_store %arg4[%swap3A_46, %swap3A_47], %scan3A_42#5 {strides = array<i32>} : memref<8x512xf32, #tpu.memory_space<vmem>>, vector<8x512xf32>,
    %swap3A_49 = arith.constant 0 : index
    %swap3A_50 = arith.constant 0 : index
    %swap3A_51 = vector.load %arg5[%swap3A_49, %swap3A_50] : memref<8x512xf32, #tpu.memory_space<vmem>>, vector<8x512xf32>
    tpu.vector_store %arg5[%swap3A_49, %swap3A_50], %scan3A_42#6 {strides = array<i32>} : memref<8x512xf32, #tpu.memory_space<vmem>>, vector<8x512xf32>,
    return
  }
}

module attributes {stable_mosaic.version = 14 : i64} {
  func.func @_knn_body(%arg0: i32, %arg1: i32, %arg2: memref<1x64x1xf32, #tpu.memory_space<vmem>>, %arg3: memref<1x64x1xf32, #tpu.memory_space<vmem>>, %arg4: memref<1x64x1xf32, #tpu.memory_space<vmem>>, %arg5: memref<1x1x8192xf32, #tpu.memory_space<vmem>>, %arg6: memref<1x1x8192xf32, #tpu.memory_space<vmem>>, %arg7: memref<1x1x8192xf32, #tpu.memory_space<vmem>>, %arg8: memref<1x64x32xi32, #tpu.memory_space<vmem>>) attributes {dimension_semantics = [#tpu.dimension_semantics<arbitrary>, #tpu.dimension_semantics<arbitrary>], iteration_bounds = array<i64: 8, 8>, scalar_prefetch = 0 : i64, scratch_operands = 0 : i64, tpu.core_type = #tpu.core_type<tc>, window_params = [{transform_indices = @transform_0, window_bounds = array<i64: 1, 64, 1>}, {transform_indices = @transform_1, window_bounds = array<i64: 1, 64, 1>}, {transform_indices = @transform_2, window_bounds = array<i64: 1, 64, 1>}, {transform_indices = @transform_3, window_bounds = array<i64: 1, 1, 8192>}, {transform_indices = @transform_4, window_bounds = array<i64: 1, 1, 8192>}, {transform_indices = @transform_5, window_bounds = array<i64: 1, 1, 8192>}, {transform_indices = @transform_6, window_bounds = array<i64: 1, 64, 32>}]} {
    %get3A = arith.constant 0 : index
    %get3A_0 = arith.constant 0 : index
    %get3A_1 = arith.constant 0 : index
    %get3A_2 = vector.load %arg2[%get3A, %get3A_0, %get3A_1] : memref<1x64x1xf32, #tpu.memory_space<vmem>>, vector<1x64x1xf32>
    %get3A_3 = vector.shape_cast %get3A_2 : vector<1x64x1xf32> to vector<64x1xf32>
    %get3A_4 = arith.constant 0 : index
    %get3A_5 = arith.constant 0 : index
    %get3A_6 = arith.constant 0 : index
    %get3A_7 = vector.load %arg3[%get3A_4, %get3A_5, %get3A_6] : memref<1x64x1xf32, #tpu.memory_space<vmem>>, vector<1x64x1xf32>
    %get3A_8 = vector.shape_cast %get3A_7 : vector<1x64x1xf32> to vector<64x1xf32>
    %get3A_9 = arith.constant 0 : index
    %get3A_10 = arith.constant 0 : index
    %get3A_11 = arith.constant 0 : index
    %get3A_12 = vector.load %arg4[%get3A_9, %get3A_10, %get3A_11] : memref<1x64x1xf32, #tpu.memory_space<vmem>>, vector<1x64x1xf32>
    %get3A_13 = vector.shape_cast %get3A_12 : vector<1x64x1xf32> to vector<64x1xf32>
    %get3A_14 = arith.constant 0 : index
    %get3A_15 = arith.constant 0 : index
    %get3A_16 = arith.constant 0 : index
    %get3A_17 = vector.load %arg5[%get3A_14, %get3A_15, %get3A_16] : memref<1x1x8192xf32, #tpu.memory_space<vmem>>, vector<1x1x8192xf32>
    %get3A_18 = vector.shape_cast %get3A_17 : vector<1x1x8192xf32> to vector<1x8192xf32>
    %get3A_19 = arith.constant 0 : index
    %get3A_20 = arith.constant 0 : index
    %get3A_21 = arith.constant 0 : index
    %get3A_22 = vector.load %arg6[%get3A_19, %get3A_20, %get3A_21] : memref<1x1x8192xf32, #tpu.memory_space<vmem>>, vector<1x1x8192xf32>
    %get3A_23 = vector.shape_cast %get3A_22 : vector<1x1x8192xf32> to vector<1x8192xf32>
    %get3A_24 = arith.constant 0 : index
    %get3A_25 = arith.constant 0 : index
    %get3A_26 = arith.constant 0 : index
    %get3A_27 = vector.load %arg7[%get3A_24, %get3A_25, %get3A_26] : memref<1x1x8192xf32, #tpu.memory_space<vmem>>, vector<1x1x8192xf32>
    %get3A_28 = vector.shape_cast %get3A_27 : vector<1x1x8192xf32> to vector<1x8192xf32>
    %sub3A = vector.broadcast %get3A_3 : vector<64x1xf32> to vector<64x8192xf32>
    %sub3A_29 = vector.broadcast %get3A_18 : vector<1x8192xf32> to vector<64x8192xf32>
    %sub3A_30 = arith.subf %sub3A, %sub3A_29 : vector<64x8192xf32>
    %sub3A_31 = vector.broadcast %get3A_8 : vector<64x1xf32> to vector<64x8192xf32>
    %sub3A_32 = vector.broadcast %get3A_23 : vector<1x8192xf32> to vector<64x8192xf32>
    %sub3A_33 = arith.subf %sub3A_31, %sub3A_32 : vector<64x8192xf32>
    %sub3A_34 = vector.broadcast %get3A_13 : vector<64x1xf32> to vector<64x8192xf32>
    %sub3A_35 = vector.broadcast %get3A_28 : vector<1x8192xf32> to vector<64x8192xf32>
    %sub3A_36 = arith.subf %sub3A_34, %sub3A_35 : vector<64x8192xf32>
    %mul3A = arith.mulf %sub3A_30, %sub3A_30 : vector<64x8192xf32>
    %mul3A_37 = arith.mulf %sub3A_33, %sub3A_33 : vector<64x8192xf32>
    %add3A = arith.addf %mul3A, %mul3A_37 : vector<64x8192xf32>
    %mul3A_38 = arith.mulf %sub3A_36, %sub3A_36 : vector<64x8192xf32>
    %add3A_39 = arith.addf %add3A, %mul3A_38 : vector<64x8192xf32>
    %iota3A = tpu.iota {dimensions = array<i32: 1>} : vector<64x8192xi32>
    %reduce_min3A = arith.constant dense<0x7F800000> : vector<64xf32>
    %reduce_min3A_40 = vector.multi_reduction <minimumf>, %add3A_39, %reduce_min3A [1] : vector<64x8192xf32> to vector<64xf32>
    %broadcast_in_dim3A = vector.shape_cast %reduce_min3A_40 : vector<64xf32> to vector<64x1xf32>
    %eq3A = vector.broadcast %broadcast_in_dim3A : vector<64x1xf32> to vector<64x8192xf32>
    %eq3A_41 = arith.cmpf oeq, %add3A_39, %eq3A : vector<64x8192xf32>
    %jit3A = arith.constant 8192 : i32
    %broadcast_in_dim3A_42 = vector.broadcast %jit3A : i32 to vector<64x8192xi32>
    %select_n3A = arith.select %eq3A_41, %iota3A, %broadcast_in_dim3A_42 : vector<64x8192xi1>, vector<64x8192xi32>
    %reduce_min3A_43 = arith.constant dense<2147483647> : vector<64xi32>
    %reduce_min3A_44 = vector.multi_reduction <minsi>, %select_n3A, %reduce_min3A_43 [1] : vector<64x8192xi32> to vector<64xi32>
    %broadcast_in_dim3A_45 = vector.shape_cast %reduce_min3A_44 : vector<64xi32> to vector<64x1xi32>
    %swap3A = arith.constant 0 : index
    %swap3A_46 = arith.constant 0 : index
    %swap3A_47 = arith.constant 0 : index
    %swap3A_48 = vector.load %arg8[%swap3A, %swap3A_46, %swap3A_47] : memref<1x64x32xi32, #tpu.memory_space<vmem>>, vector<1x64x1xi32>
    %swap3A_49 = vector.shape_cast %swap3A_48 : vector<1x64x1xi32> to vector<64x1xi32>
    %swap3A_50 = vector.shape_cast %broadcast_in_dim3A_45 : vector<64x1xi32> to vector<1x64x1xi32>
    tpu.vector_store %arg8[%swap3A, %swap3A_46, %swap3A_47], %swap3A_50 {strides = array<i32>} : memref<1x64x32xi32, #tpu.memory_space<vmem>>, vector<1x64x1xi32>,
    %eq3A_51 = vector.broadcast %broadcast_in_dim3A_45 : vector<64x1xi32> to vector<64x8192xi32>
    %eq3A_52 = arith.cmpi eq, %iota3A, %eq3A_51 : vector<64x8192xi32>
    %jit3A_53 = arith.constant 0x7F800000 : f32
    %broadcast_in_dim3A_54 = vector.broadcast %jit3A_53 : f32 to vector<64x8192xf32>
    %select_n3A_55 = arith.select %eq3A_52, %broadcast_in_dim3A_54, %add3A_39 : vector<64x8192xi1>, vector<64x8192xf32>
    %reduce_min3A_56 = arith.constant dense<0x7F800000> : vector<64xf32>
    %reduce_min3A_57 = vector.multi_reduction <minimumf>, %select_n3A_55, %reduce_min3A_56 [1] : vector<64x8192xf32> to vector<64xf32>
    %broadcast_in_dim3A_58 = vector.shape_cast %reduce_min3A_57 : vector<64xf32> to vector<64x1xf32>
    %eq3A_59 = vector.broadcast %broadcast_in_dim3A_58 : vector<64x1xf32> to vector<64x8192xf32>
    %eq3A_60 = arith.cmpf oeq, %select_n3A_55, %eq3A_59 : vector<64x8192xf32>
    %jit3A_61 = arith.constant 8192 : i32
    %broadcast_in_dim3A_62 = vector.broadcast %jit3A_61 : i32 to vector<64x8192xi32>
    %select_n3A_63 = arith.select %eq3A_60, %iota3A, %broadcast_in_dim3A_62 : vector<64x8192xi1>, vector<64x8192xi32>
    %reduce_min3A_64 = arith.constant dense<2147483647> : vector<64xi32>
    %reduce_min3A_65 = vector.multi_reduction <minsi>, %select_n3A_63, %reduce_min3A_64 [1] : vector<64x8192xi32> to vector<64xi32>
    %broadcast_in_dim3A_66 = vector.shape_cast %reduce_min3A_65 : vector<64xi32> to vector<64x1xi32>
    %swap3A_67 = arith.constant 0 : index
    %swap3A_68 = arith.constant 0 : index
    %swap3A_69 = arith.constant 1 : index
    %swap3A_70 = vector.load %arg8[%swap3A_67, %swap3A_68, %swap3A_69] : memref<1x64x32xi32, #tpu.memory_space<vmem>>, vector<1x64x1xi32>
    %swap3A_71 = vector.shape_cast %swap3A_70 : vector<1x64x1xi32> to vector<64x1xi32>
    %swap3A_72 = vector.shape_cast %broadcast_in_dim3A_66 : vector<64x1xi32> to vector<1x64x1xi32>
    tpu.vector_store %arg8[%swap3A_67, %swap3A_68, %swap3A_69], %swap3A_72 {strides = array<i32>} : memref<1x64x32xi32, #tpu.memory_space<vmem>>, vector<1x64x1xi32>,
    %eq3A_73 = vector.broadcast %broadcast_in_dim3A_66 : vector<64x1xi32> to vector<64x8192xi32>
    %eq3A_74 = arith.cmpi eq, %iota3A, %eq3A_73 : vector<64x8192xi32>
    %jit3A_75 = arith.constant 0x7F800000 : f32
    %broadcast_in_dim3A_76 = vector.broadcast %jit3A_75 : f32 to vector<64x8192xf32>
    %select_n3A_77 = arith.select %eq3A_74, %broadcast_in_dim3A_76, %select_n3A_55 : vector<64x8192xi1>, vector<64x8192xf32>
    %reduce_min3A_78 = arith.constant dense<0x7F800000> : vector<64xf32>
    %reduce_min3A_79 = vector.multi_reduction <minimumf>, %select_n3A_77, %reduce_min3A_78 [1] : vector<64x8192xf32> to vector<64xf32>
    %broadcast_in_dim3A_80 = vector.shape_cast %reduce_min3A_79 : vector<64xf32> to vector<64x1xf32>
    %eq3A_81 = vector.broadcast %broadcast_in_dim3A_80 : vector<64x1xf32> to vector<64x8192xf32>
    %eq3A_82 = arith.cmpf oeq, %select_n3A_77, %eq3A_81 : vector<64x8192xf32>
    %jit3A_83 = arith.constant 8192 : i32
    %broadcast_in_dim3A_84 = vector.broadcast %jit3A_83 : i32 to vector<64x8192xi32>
    %select_n3A_85 = arith.select %eq3A_82, %iota3A, %broadcast_in_dim3A_84 : vector<64x8192xi1>, vector<64x8192xi32>
    %reduce_min3A_86 = arith.constant dense<2147483647> : vector<64xi32>
    %reduce_min3A_87 = vector.multi_reduction <minsi>, %select_n3A_85, %reduce_min3A_86 [1] : vector<64x8192xi32> to vector<64xi32>
    %broadcast_in_dim3A_88 = vector.shape_cast %reduce_min3A_87 : vector<64xi32> to vector<64x1xi32>
    %swap3A_89 = arith.constant 0 : index
    %swap3A_90 = arith.constant 0 : index
    %swap3A_91 = arith.constant 2 : index
    %swap3A_92 = vector.load %arg8[%swap3A_89, %swap3A_90, %swap3A_91] : memref<1x64x32xi32, #tpu.memory_space<vmem>>, vector<1x64x1xi32>
    %swap3A_93 = vector.shape_cast %swap3A_92 : vector<1x64x1xi32> to vector<64x1xi32>
    %swap3A_94 = vector.shape_cast %broadcast_in_dim3A_88 : vector<64x1xi32> to vector<1x64x1xi32>
    tpu.vector_store %arg8[%swap3A_89, %swap3A_90, %swap3A_91], %swap3A_94 {strides = array<i32>} : memref<1x64x32xi32, #tpu.memory_space<vmem>>, vector<1x64x1xi32>,
    %eq3A_95 = vector.broadcast %broadcast_in_dim3A_88 : vector<64x1xi32> to vector<64x8192xi32>
    %eq3A_96 = arith.cmpi eq, %iota3A, %eq3A_95 : vector<64x8192xi32>
    %jit3A_97 = arith.constant 0x7F800000 : f32
    %broadcast_in_dim3A_98 = vector.broadcast %jit3A_97 : f32 to vector<64x8192xf32>
    %select_n3A_99 = arith.select %eq3A_96, %broadcast_in_dim3A_98, %select_n3A_77 : vector<64x8192xi1>, vector<64x8192xf32>
    %reduce_min3A_100 = arith.constant dense<0x7F800000> : vector<64xf32>
    %reduce_min3A_101 = vector.multi_reduction <minimumf>, %select_n3A_99, %reduce_min3A_100 [1] : vector<64x8192xf32> to vector<64xf32>
    %broadcast_in_dim3A_102 = vector.shape_cast %reduce_min3A_101 : vector<64xf32> to vector<64x1xf32>
    %eq3A_103 = vector.broadcast %broadcast_in_dim3A_102 : vector<64x1xf32> to vector<64x8192xf32>
    %eq3A_104 = arith.cmpf oeq, %select_n3A_99, %eq3A_103 : vector<64x8192xf32>
    %jit3A_105 = arith.constant 8192 : i32
    %broadcast_in_dim3A_106 = vector.broadcast %jit3A_105 : i32 to vector<64x8192xi32>
    %select_n3A_107 = arith.select %eq3A_104, %iota3A, %broadcast_in_dim3A_106 : vector<64x8192xi1>, vector<64x8192xi32>
    %reduce_min3A_108 = arith.constant dense<2147483647> : vector<64xi32>
    %reduce_min3A_109 = vector.multi_reduction <minsi>, %select_n3A_107, %reduce_min3A_108 [1] : vector<64x8192xi32> to vector<64xi32>
    %broadcast_in_dim3A_110 = vector.shape_cast %reduce_min3A_109 : vector<64xi32> to vector<64x1xi32>
    %swap3A_111 = arith.constant 0 : index
    %swap3A_112 = arith.constant 0 : index
    %swap3A_113 = arith.constant 3 : index
    %swap3A_114 = vector.load %arg8[%swap3A_111, %swap3A_112, %swap3A_113] : memref<1x64x32xi32, #tpu.memory_space<vmem>>, vector<1x64x1xi32>
    %swap3A_115 = vector.shape_cast %swap3A_114 : vector<1x64x1xi32> to vector<64x1xi32>
    %swap3A_116 = vector.shape_cast %broadcast_in_dim3A_110 : vector<64x1xi32> to vector<1x64x1xi32>
    tpu.vector_store %arg8[%swap3A_111, %swap3A_112, %swap3A_113], %swap3A_116 {strides = array<i32>} : memref<1x64x32xi32, #tpu.memory_space<vmem>>, vector<1x64x1xi32>,
    %eq3A_117 = vector.broadcast %broadcast_in_dim3A_110 : vector<64x1xi32> to vector<64x8192xi32>
    %eq3A_118 = arith.cmpi eq, %iota3A, %eq3A_117 : vector<64x8192xi32>
    %jit3A_119 = arith.constant 0x7F800000 : f32
    %broadcast_in_dim3A_120 = vector.broadcast %jit3A_119 : f32 to vector<64x8192xf32>
    %select_n3A_121 = arith.select %eq3A_118, %broadcast_in_dim3A_120, %select_n3A_99 : vector<64x8192xi1>, vector<64x8192xf32>
    %reduce_min3A_122 = arith.constant dense<0x7F800000> : vector<64xf32>
    %reduce_min3A_123 = vector.multi_reduction <minimumf>, %select_n3A_121, %reduce_min3A_122 [1] : vector<64x8192xf32> to vector<64xf32>
    %broadcast_in_dim3A_124 = vector.shape_cast %reduce_min3A_123 : vector<64xf32> to vector<64x1xf32>
    %eq3A_125 = vector.broadcast %broadcast_in_dim3A_124 : vector<64x1xf32> to vector<64x8192xf32>
    %eq3A_126 = arith.cmpf oeq, %select_n3A_121, %eq3A_125 : vector<64x8192xf32>
    %jit3A_127 = arith.constant 8192 : i32
    %broadcast_in_dim3A_128 = vector.broadcast %jit3A_127 : i32 to vector<64x8192xi32>
    %select_n3A_129 = arith.select %eq3A_126, %iota3A, %broadcast_in_dim3A_128 : vector<64x8192xi1>, vector<64x8192xi32>
    %reduce_min3A_130 = arith.constant dense<2147483647> : vector<64xi32>
    %reduce_min3A_131 = vector.multi_reduction <minsi>, %select_n3A_129, %reduce_min3A_130 [1] : vector<64x8192xi32> to vector<64xi32>
    %broadcast_in_dim3A_132 = vector.shape_cast %reduce_min3A_131 : vector<64xi32> to vector<64x1xi32>
    %swap3A_133 = arith.constant 0 : index
    %swap3A_134 = arith.constant 0 : index
    %swap3A_135 = arith.constant 4 : index
    %swap3A_136 = vector.load %arg8[%swap3A_133, %swap3A_134, %swap3A_135] : memref<1x64x32xi32, #tpu.memory_space<vmem>>, vector<1x64x1xi32>
    %swap3A_137 = vector.shape_cast %swap3A_136 : vector<1x64x1xi32> to vector<64x1xi32>
    %swap3A_138 = vector.shape_cast %broadcast_in_dim3A_132 : vector<64x1xi32> to vector<1x64x1xi32>
    tpu.vector_store %arg8[%swap3A_133, %swap3A_134, %swap3A_135], %swap3A_138 {strides = array<i32>} : memref<1x64x32xi32, #tpu.memory_space<vmem>>, vector<1x64x1xi32>,
    %eq3A_139 = vector.broadcast %broadcast_in_dim3A_132 : vector<64x1xi32> to vector<64x8192xi32>
    %eq3A_140 = arith.cmpi eq, %iota3A, %eq3A_139 : vector<64x8192xi32>
    %jit3A_141 = arith.constant 0x7F800000 : f32
    %broadcast_in_dim3A_142 = vector.broadcast %jit3A_141 : f32 to vector<64x8192xf32>
    %select_n3A_143 = arith.select %eq3A_140, %broadcast_in_dim3A_142, %select_n3A_121 : vector<64x8192xi1>, vector<64x8192xf32>
    %reduce_min3A_144 = arith.constant dense<0x7F800000> : vector<64xf32>
    %reduce_min3A_145 = vector.multi_reduction <minimumf>, %select_n3A_143, %reduce_min3A_144 [1] : vector<64x8192xf32> to vector<64xf32>
    %broadcast_in_dim3A_146 = vector.shape_cast %reduce_min3A_145 : vector<64xf32> to vector<64x1xf32>
    %eq3A_147 = vector.broadcast %broadcast_in_dim3A_146 : vector<64x1xf32> to vector<64x8192xf32>
    %eq3A_148 = arith.cmpf oeq, %select_n3A_143, %eq3A_147 : vector<64x8192xf32>
    %jit3A_149 = arith.constant 8192 : i32
    %broadcast_in_dim3A_150 = vector.broadcast %jit3A_149 : i32 to vector<64x8192xi32>
    %select_n3A_151 = arith.select %eq3A_148, %iota3A, %broadcast_in_dim3A_150 : vector<64x8192xi1>, vector<64x8192xi32>
    %reduce_min3A_152 = arith.constant dense<2147483647> : vector<64xi32>
    %reduce_min3A_153 = vector.multi_reduction <minsi>, %select_n3A_151, %reduce_min3A_152 [1] : vector<64x8192xi32> to vector<64xi32>
    %broadcast_in_dim3A_154 = vector.shape_cast %reduce_min3A_153 : vector<64xi32> to vector<64x1xi32>
    %swap3A_155 = arith.constant 0 : index
    %swap3A_156 = arith.constant 0 : index
    %swap3A_157 = arith.constant 5 : index
    %swap3A_158 = vector.load %arg8[%swap3A_155, %swap3A_156, %swap3A_157] : memref<1x64x32xi32, #tpu.memory_space<vmem>>, vector<1x64x1xi32>
    %swap3A_159 = vector.shape_cast %swap3A_158 : vector<1x64x1xi32> to vector<64x1xi32>
    %swap3A_160 = vector.shape_cast %broadcast_in_dim3A_154 : vector<64x1xi32> to vector<1x64x1xi32>
    tpu.vector_store %arg8[%swap3A_155, %swap3A_156, %swap3A_157], %swap3A_160 {strides = array<i32>} : memref<1x64x32xi32, #tpu.memory_space<vmem>>, vector<1x64x1xi32>,
    %eq3A_161 = vector.broadcast %broadcast_in_dim3A_154 : vector<64x1xi32> to vector<64x8192xi32>
    %eq3A_162 = arith.cmpi eq, %iota3A, %eq3A_161 : vector<64x8192xi32>
    %jit3A_163 = arith.constant 0x7F800000 : f32
    %broadcast_in_dim3A_164 = vector.broadcast %jit3A_163 : f32 to vector<64x8192xf32>
    %select_n3A_165 = arith.select %eq3A_162, %broadcast_in_dim3A_164, %select_n3A_143 : vector<64x8192xi1>, vector<64x8192xf32>
    %reduce_min3A_166 = arith.constant dense<0x7F800000> : vector<64xf32>
    %reduce_min3A_167 = vector.multi_reduction <minimumf>, %select_n3A_165, %reduce_min3A_166 [1] : vector<64x8192xf32> to vector<64xf32>
    %broadcast_in_dim3A_168 = vector.shape_cast %reduce_min3A_167 : vector<64xf32> to vector<64x1xf32>
    %eq3A_169 = vector.broadcast %broadcast_in_dim3A_168 : vector<64x1xf32> to vector<64x8192xf32>
    %eq3A_170 = arith.cmpf oeq, %select_n3A_165, %eq3A_169 : vector<64x8192xf32>
    %jit3A_171 = arith.constant 8192 : i32
    %broadcast_in_dim3A_172 = vector.broadcast %jit3A_171 : i32 to vector<64x8192xi32>
    %select_n3A_173 = arith.select %eq3A_170, %iota3A, %broadcast_in_dim3A_172 : vector<64x8192xi1>, vector<64x8192xi32>
    %reduce_min3A_174 = arith.constant dense<2147483647> : vector<64xi32>
    %reduce_min3A_175 = vector.multi_reduction <minsi>, %select_n3A_173, %reduce_min3A_174 [1] : vector<64x8192xi32> to vector<64xi32>
    %broadcast_in_dim3A_176 = vector.shape_cast %reduce_min3A_175 : vector<64xi32> to vector<64x1xi32>
    %swap3A_177 = arith.constant 0 : index
    %swap3A_178 = arith.constant 0 : index
    %swap3A_179 = arith.constant 6 : index
    %swap3A_180 = vector.load %arg8[%swap3A_177, %swap3A_178, %swap3A_179] : memref<1x64x32xi32, #tpu.memory_space<vmem>>, vector<1x64x1xi32>
    %swap3A_181 = vector.shape_cast %swap3A_180 : vector<1x64x1xi32> to vector<64x1xi32>
    %swap3A_182 = vector.shape_cast %broadcast_in_dim3A_176 : vector<64x1xi32> to vector<1x64x1xi32>
    tpu.vector_store %arg8[%swap3A_177, %swap3A_178, %swap3A_179], %swap3A_182 {strides = array<i32>} : memref<1x64x32xi32, #tpu.memory_space<vmem>>, vector<1x64x1xi32>,
    %eq3A_183 = vector.broadcast %broadcast_in_dim3A_176 : vector<64x1xi32> to vector<64x8192xi32>
    %eq3A_184 = arith.cmpi eq, %iota3A, %eq3A_183 : vector<64x8192xi32>
    %jit3A_185 = arith.constant 0x7F800000 : f32
    %broadcast_in_dim3A_186 = vector.broadcast %jit3A_185 : f32 to vector<64x8192xf32>
    %select_n3A_187 = arith.select %eq3A_184, %broadcast_in_dim3A_186, %select_n3A_165 : vector<64x8192xi1>, vector<64x8192xf32>
    %reduce_min3A_188 = arith.constant dense<0x7F800000> : vector<64xf32>
    %reduce_min3A_189 = vector.multi_reduction <minimumf>, %select_n3A_187, %reduce_min3A_188 [1] : vector<64x8192xf32> to vector<64xf32>
    %broadcast_in_dim3A_190 = vector.shape_cast %reduce_min3A_189 : vector<64xf32> to vector<64x1xf32>
    %eq3A_191 = vector.broadcast %broadcast_in_dim3A_190 : vector<64x1xf32> to vector<64x8192xf32>
    %eq3A_192 = arith.cmpf oeq, %select_n3A_187, %eq3A_191 : vector<64x8192xf32>
    %jit3A_193 = arith.constant 8192 : i32
    %broadcast_in_dim3A_194 = vector.broadcast %jit3A_193 : i32 to vector<64x8192xi32>
    %select_n3A_195 = arith.select %eq3A_192, %iota3A, %broadcast_in_dim3A_194 : vector<64x8192xi1>, vector<64x8192xi32>
    %reduce_min3A_196 = arith.constant dense<2147483647> : vector<64xi32>
    %reduce_min3A_197 = vector.multi_reduction <minsi>, %select_n3A_195, %reduce_min3A_196 [1] : vector<64x8192xi32> to vector<64xi32>
    %broadcast_in_dim3A_198 = vector.shape_cast %reduce_min3A_197 : vector<64xi32> to vector<64x1xi32>
    %swap3A_199 = arith.constant 0 : index
    %swap3A_200 = arith.constant 0 : index
    %swap3A_201 = arith.constant 7 : index
    %swap3A_202 = vector.load %arg8[%swap3A_199, %swap3A_200, %swap3A_201] : memref<1x64x32xi32, #tpu.memory_space<vmem>>, vector<1x64x1xi32>
    %swap3A_203 = vector.shape_cast %swap3A_202 : vector<1x64x1xi32> to vector<64x1xi32>
    %swap3A_204 = vector.shape_cast %broadcast_in_dim3A_198 : vector<64x1xi32> to vector<1x64x1xi32>
    tpu.vector_store %arg8[%swap3A_199, %swap3A_200, %swap3A_201], %swap3A_204 {strides = array<i32>} : memref<1x64x32xi32, #tpu.memory_space<vmem>>, vector<1x64x1xi32>,
    %eq3A_205 = vector.broadcast %broadcast_in_dim3A_198 : vector<64x1xi32> to vector<64x8192xi32>
    %eq3A_206 = arith.cmpi eq, %iota3A, %eq3A_205 : vector<64x8192xi32>
    %jit3A_207 = arith.constant 0x7F800000 : f32
    %broadcast_in_dim3A_208 = vector.broadcast %jit3A_207 : f32 to vector<64x8192xf32>
    %select_n3A_209 = arith.select %eq3A_206, %broadcast_in_dim3A_208, %select_n3A_187 : vector<64x8192xi1>, vector<64x8192xf32>
    %reduce_min3A_210 = arith.constant dense<0x7F800000> : vector<64xf32>
    %reduce_min3A_211 = vector.multi_reduction <minimumf>, %select_n3A_209, %reduce_min3A_210 [1] : vector<64x8192xf32> to vector<64xf32>
    %broadcast_in_dim3A_212 = vector.shape_cast %reduce_min3A_211 : vector<64xf32> to vector<64x1xf32>
    %eq3A_213 = vector.broadcast %broadcast_in_dim3A_212 : vector<64x1xf32> to vector<64x8192xf32>
    %eq3A_214 = arith.cmpf oeq, %select_n3A_209, %eq3A_213 : vector<64x8192xf32>
    %jit3A_215 = arith.constant 8192 : i32
    %broadcast_in_dim3A_216 = vector.broadcast %jit3A_215 : i32 to vector<64x8192xi32>
    %select_n3A_217 = arith.select %eq3A_214, %iota3A, %broadcast_in_dim3A_216 : vector<64x8192xi1>, vector<64x8192xi32>
    %reduce_min3A_218 = arith.constant dense<2147483647> : vector<64xi32>
    %reduce_min3A_219 = vector.multi_reduction <minsi>, %select_n3A_217, %reduce_min3A_218 [1] : vector<64x8192xi32> to vector<64xi32>
    %broadcast_in_dim3A_220 = vector.shape_cast %reduce_min3A_219 : vector<64xi32> to vector<64x1xi32>
    %swap3A_221 = arith.constant 0 : index
    %swap3A_222 = arith.constant 0 : index
    %swap3A_223 = arith.constant 8 : index
    %swap3A_224 = vector.load %arg8[%swap3A_221, %swap3A_222, %swap3A_223] : memref<1x64x32xi32, #tpu.memory_space<vmem>>, vector<1x64x1xi32>
    %swap3A_225 = vector.shape_cast %swap3A_224 : vector<1x64x1xi32> to vector<64x1xi32>
    %swap3A_226 = vector.shape_cast %broadcast_in_dim3A_220 : vector<64x1xi32> to vector<1x64x1xi32>
    tpu.vector_store %arg8[%swap3A_221, %swap3A_222, %swap3A_223], %swap3A_226 {strides = array<i32>} : memref<1x64x32xi32, #tpu.memory_space<vmem>>, vector<1x64x1xi32>,
    %eq3A_227 = vector.broadcast %broadcast_in_dim3A_220 : vector<64x1xi32> to vector<64x8192xi32>
    %eq3A_228 = arith.cmpi eq, %iota3A, %eq3A_227 : vector<64x8192xi32>
    %jit3A_229 = arith.constant 0x7F800000 : f32
    %broadcast_in_dim3A_230 = vector.broadcast %jit3A_229 : f32 to vector<64x8192xf32>
    %select_n3A_231 = arith.select %eq3A_228, %broadcast_in_dim3A_230, %select_n3A_209 : vector<64x8192xi1>, vector<64x8192xf32>
    %reduce_min3A_232 = arith.constant dense<0x7F800000> : vector<64xf32>
    %reduce_min3A_233 = vector.multi_reduction <minimumf>, %select_n3A_231, %reduce_min3A_232 [1] : vector<64x8192xf32> to vector<64xf32>
    %broadcast_in_dim3A_234 = vector.shape_cast %reduce_min3A_233 : vector<64xf32> to vector<64x1xf32>
    %eq3A_235 = vector.broadcast %broadcast_in_dim3A_234 : vector<64x1xf32> to vector<64x8192xf32>
    %eq3A_236 = arith.cmpf oeq, %select_n3A_231, %eq3A_235 : vector<64x8192xf32>
    %jit3A_237 = arith.constant 8192 : i32
    %broadcast_in_dim3A_238 = vector.broadcast %jit3A_237 : i32 to vector<64x8192xi32>
    %select_n3A_239 = arith.select %eq3A_236, %iota3A, %broadcast_in_dim3A_238 : vector<64x8192xi1>, vector<64x8192xi32>
    %reduce_min3A_240 = arith.constant dense<2147483647> : vector<64xi32>
    %reduce_min3A_241 = vector.multi_reduction <minsi>, %select_n3A_239, %reduce_min3A_240 [1] : vector<64x8192xi32> to vector<64xi32>
    %broadcast_in_dim3A_242 = vector.shape_cast %reduce_min3A_241 : vector<64xi32> to vector<64x1xi32>
    %swap3A_243 = arith.constant 0 : index
    %swap3A_244 = arith.constant 0 : index
    %swap3A_245 = arith.constant 9 : index
    %swap3A_246 = vector.load %arg8[%swap3A_243, %swap3A_244, %swap3A_245] : memref<1x64x32xi32, #tpu.memory_space<vmem>>, vector<1x64x1xi32>
    %swap3A_247 = vector.shape_cast %swap3A_246 : vector<1x64x1xi32> to vector<64x1xi32>
    %swap3A_248 = vector.shape_cast %broadcast_in_dim3A_242 : vector<64x1xi32> to vector<1x64x1xi32>
    tpu.vector_store %arg8[%swap3A_243, %swap3A_244, %swap3A_245], %swap3A_248 {strides = array<i32>} : memref<1x64x32xi32, #tpu.memory_space<vmem>>, vector<1x64x1xi32>,
    %eq3A_249 = vector.broadcast %broadcast_in_dim3A_242 : vector<64x1xi32> to vector<64x8192xi32>
    %eq3A_250 = arith.cmpi eq, %iota3A, %eq3A_249 : vector<64x8192xi32>
    %jit3A_251 = arith.constant 0x7F800000 : f32
    %broadcast_in_dim3A_252 = vector.broadcast %jit3A_251 : f32 to vector<64x8192xf32>
    %select_n3A_253 = arith.select %eq3A_250, %broadcast_in_dim3A_252, %select_n3A_231 : vector<64x8192xi1>, vector<64x8192xf32>
    %reduce_min3A_254 = arith.constant dense<0x7F800000> : vector<64xf32>
    %reduce_min3A_255 = vector.multi_reduction <minimumf>, %select_n3A_253, %reduce_min3A_254 [1] : vector<64x8192xf32> to vector<64xf32>
    %broadcast_in_dim3A_256 = vector.shape_cast %reduce_min3A_255 : vector<64xf32> to vector<64x1xf32>
    %eq3A_257 = vector.broadcast %broadcast_in_dim3A_256 : vector<64x1xf32> to vector<64x8192xf32>
    %eq3A_258 = arith.cmpf oeq, %select_n3A_253, %eq3A_257 : vector<64x8192xf32>
    %jit3A_259 = arith.constant 8192 : i32
    %broadcast_in_dim3A_260 = vector.broadcast %jit3A_259 : i32 to vector<64x8192xi32>
    %select_n3A_261 = arith.select %eq3A_258, %iota3A, %broadcast_in_dim3A_260 : vector<64x8192xi1>, vector<64x8192xi32>
    %reduce_min3A_262 = arith.constant dense<2147483647> : vector<64xi32>
    %reduce_min3A_263 = vector.multi_reduction <minsi>, %select_n3A_261, %reduce_min3A_262 [1] : vector<64x8192xi32> to vector<64xi32>
    %broadcast_in_dim3A_264 = vector.shape_cast %reduce_min3A_263 : vector<64xi32> to vector<64x1xi32>
    %swap3A_265 = arith.constant 0 : index
    %swap3A_266 = arith.constant 0 : index
    %swap3A_267 = arith.constant 10 : index
    %swap3A_268 = vector.load %arg8[%swap3A_265, %swap3A_266, %swap3A_267] : memref<1x64x32xi32, #tpu.memory_space<vmem>>, vector<1x64x1xi32>
    %swap3A_269 = vector.shape_cast %swap3A_268 : vector<1x64x1xi32> to vector<64x1xi32>
    %swap3A_270 = vector.shape_cast %broadcast_in_dim3A_264 : vector<64x1xi32> to vector<1x64x1xi32>
    tpu.vector_store %arg8[%swap3A_265, %swap3A_266, %swap3A_267], %swap3A_270 {strides = array<i32>} : memref<1x64x32xi32, #tpu.memory_space<vmem>>, vector<1x64x1xi32>,
    %eq3A_271 = vector.broadcast %broadcast_in_dim3A_264 : vector<64x1xi32> to vector<64x8192xi32>
    %eq3A_272 = arith.cmpi eq, %iota3A, %eq3A_271 : vector<64x8192xi32>
    %jit3A_273 = arith.constant 0x7F800000 : f32
    %broadcast_in_dim3A_274 = vector.broadcast %jit3A_273 : f32 to vector<64x8192xf32>
    %select_n3A_275 = arith.select %eq3A_272, %broadcast_in_dim3A_274, %select_n3A_253 : vector<64x8192xi1>, vector<64x8192xf32>
    %reduce_min3A_276 = arith.constant dense<0x7F800000> : vector<64xf32>
    %reduce_min3A_277 = vector.multi_reduction <minimumf>, %select_n3A_275, %reduce_min3A_276 [1] : vector<64x8192xf32> to vector<64xf32>
    %broadcast_in_dim3A_278 = vector.shape_cast %reduce_min3A_277 : vector<64xf32> to vector<64x1xf32>
    %eq3A_279 = vector.broadcast %broadcast_in_dim3A_278 : vector<64x1xf32> to vector<64x8192xf32>
    %eq3A_280 = arith.cmpf oeq, %select_n3A_275, %eq3A_279 : vector<64x8192xf32>
    %jit3A_281 = arith.constant 8192 : i32
    %broadcast_in_dim3A_282 = vector.broadcast %jit3A_281 : i32 to vector<64x8192xi32>
    %select_n3A_283 = arith.select %eq3A_280, %iota3A, %broadcast_in_dim3A_282 : vector<64x8192xi1>, vector<64x8192xi32>
    %reduce_min3A_284 = arith.constant dense<2147483647> : vector<64xi32>
    %reduce_min3A_285 = vector.multi_reduction <minsi>, %select_n3A_283, %reduce_min3A_284 [1] : vector<64x8192xi32> to vector<64xi32>
    %broadcast_in_dim3A_286 = vector.shape_cast %reduce_min3A_285 : vector<64xi32> to vector<64x1xi32>
    %swap3A_287 = arith.constant 0 : index
    %swap3A_288 = arith.constant 0 : index
    %swap3A_289 = arith.constant 11 : index
    %swap3A_290 = vector.load %arg8[%swap3A_287, %swap3A_288, %swap3A_289] : memref<1x64x32xi32, #tpu.memory_space<vmem>>, vector<1x64x1xi32>
    %swap3A_291 = vector.shape_cast %swap3A_290 : vector<1x64x1xi32> to vector<64x1xi32>
    %swap3A_292 = vector.shape_cast %broadcast_in_dim3A_286 : vector<64x1xi32> to vector<1x64x1xi32>
    tpu.vector_store %arg8[%swap3A_287, %swap3A_288, %swap3A_289], %swap3A_292 {strides = array<i32>} : memref<1x64x32xi32, #tpu.memory_space<vmem>>, vector<1x64x1xi32>,
    %eq3A_293 = vector.broadcast %broadcast_in_dim3A_286 : vector<64x1xi32> to vector<64x8192xi32>
    %eq3A_294 = arith.cmpi eq, %iota3A, %eq3A_293 : vector<64x8192xi32>
    %jit3A_295 = arith.constant 0x7F800000 : f32
    %broadcast_in_dim3A_296 = vector.broadcast %jit3A_295 : f32 to vector<64x8192xf32>
    %select_n3A_297 = arith.select %eq3A_294, %broadcast_in_dim3A_296, %select_n3A_275 : vector<64x8192xi1>, vector<64x8192xf32>
    %reduce_min3A_298 = arith.constant dense<0x7F800000> : vector<64xf32>
    %reduce_min3A_299 = vector.multi_reduction <minimumf>, %select_n3A_297, %reduce_min3A_298 [1] : vector<64x8192xf32> to vector<64xf32>
    %broadcast_in_dim3A_300 = vector.shape_cast %reduce_min3A_299 : vector<64xf32> to vector<64x1xf32>
    %eq3A_301 = vector.broadcast %broadcast_in_dim3A_300 : vector<64x1xf32> to vector<64x8192xf32>
    %eq3A_302 = arith.cmpf oeq, %select_n3A_297, %eq3A_301 : vector<64x8192xf32>
    %jit3A_303 = arith.constant 8192 : i32
    %broadcast_in_dim3A_304 = vector.broadcast %jit3A_303 : i32 to vector<64x8192xi32>
    %select_n3A_305 = arith.select %eq3A_302, %iota3A, %broadcast_in_dim3A_304 : vector<64x8192xi1>, vector<64x8192xi32>
    %reduce_min3A_306 = arith.constant dense<2147483647> : vector<64xi32>
    %reduce_min3A_307 = vector.multi_reduction <minsi>, %select_n3A_305, %reduce_min3A_306 [1] : vector<64x8192xi32> to vector<64xi32>
    %broadcast_in_dim3A_308 = vector.shape_cast %reduce_min3A_307 : vector<64xi32> to vector<64x1xi32>
    %swap3A_309 = arith.constant 0 : index
    %swap3A_310 = arith.constant 0 : index
    %swap3A_311 = arith.constant 12 : index
    %swap3A_312 = vector.load %arg8[%swap3A_309, %swap3A_310, %swap3A_311] : memref<1x64x32xi32, #tpu.memory_space<vmem>>, vector<1x64x1xi32>
    %swap3A_313 = vector.shape_cast %swap3A_312 : vector<1x64x1xi32> to vector<64x1xi32>
    %swap3A_314 = vector.shape_cast %broadcast_in_dim3A_308 : vector<64x1xi32> to vector<1x64x1xi32>
    tpu.vector_store %arg8[%swap3A_309, %swap3A_310, %swap3A_311], %swap3A_314 {strides = array<i32>} : memref<1x64x32xi32, #tpu.memory_space<vmem>>, vector<1x64x1xi32>,
    %eq3A_315 = vector.broadcast %broadcast_in_dim3A_308 : vector<64x1xi32> to vector<64x8192xi32>
    %eq3A_316 = arith.cmpi eq, %iota3A, %eq3A_315 : vector<64x8192xi32>
    %jit3A_317 = arith.constant 0x7F800000 : f32
    %broadcast_in_dim3A_318 = vector.broadcast %jit3A_317 : f32 to vector<64x8192xf32>
    %select_n3A_319 = arith.select %eq3A_316, %broadcast_in_dim3A_318, %select_n3A_297 : vector<64x8192xi1>, vector<64x8192xf32>
    %reduce_min3A_320 = arith.constant dense<0x7F800000> : vector<64xf32>
    %reduce_min3A_321 = vector.multi_reduction <minimumf>, %select_n3A_319, %reduce_min3A_320 [1] : vector<64x8192xf32> to vector<64xf32>
    %broadcast_in_dim3A_322 = vector.shape_cast %reduce_min3A_321 : vector<64xf32> to vector<64x1xf32>
    %eq3A_323 = vector.broadcast %broadcast_in_dim3A_322 : vector<64x1xf32> to vector<64x8192xf32>
    %eq3A_324 = arith.cmpf oeq, %select_n3A_319, %eq3A_323 : vector<64x8192xf32>
    %jit3A_325 = arith.constant 8192 : i32
    %broadcast_in_dim3A_326 = vector.broadcast %jit3A_325 : i32 to vector<64x8192xi32>
    %select_n3A_327 = arith.select %eq3A_324, %iota3A, %broadcast_in_dim3A_326 : vector<64x8192xi1>, vector<64x8192xi32>
    %reduce_min3A_328 = arith.constant dense<2147483647> : vector<64xi32>
    %reduce_min3A_329 = vector.multi_reduction <minsi>, %select_n3A_327, %reduce_min3A_328 [1] : vector<64x8192xi32> to vector<64xi32>
    %broadcast_in_dim3A_330 = vector.shape_cast %reduce_min3A_329 : vector<64xi32> to vector<64x1xi32>
    %swap3A_331 = arith.constant 0 : index
    %swap3A_332 = arith.constant 0 : index
    %swap3A_333 = arith.constant 13 : index
    %swap3A_334 = vector.load %arg8[%swap3A_331, %swap3A_332, %swap3A_333] : memref<1x64x32xi32, #tpu.memory_space<vmem>>, vector<1x64x1xi32>
    %swap3A_335 = vector.shape_cast %swap3A_334 : vector<1x64x1xi32> to vector<64x1xi32>
    %swap3A_336 = vector.shape_cast %broadcast_in_dim3A_330 : vector<64x1xi32> to vector<1x64x1xi32>
    tpu.vector_store %arg8[%swap3A_331, %swap3A_332, %swap3A_333], %swap3A_336 {strides = array<i32>} : memref<1x64x32xi32, #tpu.memory_space<vmem>>, vector<1x64x1xi32>,
    %eq3A_337 = vector.broadcast %broadcast_in_dim3A_330 : vector<64x1xi32> to vector<64x8192xi32>
    %eq3A_338 = arith.cmpi eq, %iota3A, %eq3A_337 : vector<64x8192xi32>
    %jit3A_339 = arith.constant 0x7F800000 : f32
    %broadcast_in_dim3A_340 = vector.broadcast %jit3A_339 : f32 to vector<64x8192xf32>
    %select_n3A_341 = arith.select %eq3A_338, %broadcast_in_dim3A_340, %select_n3A_319 : vector<64x8192xi1>, vector<64x8192xf32>
    %reduce_min3A_342 = arith.constant dense<0x7F800000> : vector<64xf32>
    %reduce_min3A_343 = vector.multi_reduction <minimumf>, %select_n3A_341, %reduce_min3A_342 [1] : vector<64x8192xf32> to vector<64xf32>
    %broadcast_in_dim3A_344 = vector.shape_cast %reduce_min3A_343 : vector<64xf32> to vector<64x1xf32>
    %eq3A_345 = vector.broadcast %broadcast_in_dim3A_344 : vector<64x1xf32> to vector<64x8192xf32>
    %eq3A_346 = arith.cmpf oeq, %select_n3A_341, %eq3A_345 : vector<64x8192xf32>
    %jit3A_347 = arith.constant 8192 : i32
    %broadcast_in_dim3A_348 = vector.broadcast %jit3A_347 : i32 to vector<64x8192xi32>
    %select_n3A_349 = arith.select %eq3A_346, %iota3A, %broadcast_in_dim3A_348 : vector<64x8192xi1>, vector<64x8192xi32>
    %reduce_min3A_350 = arith.constant dense<2147483647> : vector<64xi32>
    %reduce_min3A_351 = vector.multi_reduction <minsi>, %select_n3A_349, %reduce_min3A_350 [1] : vector<64x8192xi32> to vector<64xi32>
    %broadcast_in_dim3A_352 = vector.shape_cast %reduce_min3A_351 : vector<64xi32> to vector<64x1xi32>
    %swap3A_353 = arith.constant 0 : index
    %swap3A_354 = arith.constant 0 : index
    %swap3A_355 = arith.constant 14 : index
    %swap3A_356 = vector.load %arg8[%swap3A_353, %swap3A_354, %swap3A_355] : memref<1x64x32xi32, #tpu.memory_space<vmem>>, vector<1x64x1xi32>
    %swap3A_357 = vector.shape_cast %swap3A_356 : vector<1x64x1xi32> to vector<64x1xi32>
    %swap3A_358 = vector.shape_cast %broadcast_in_dim3A_352 : vector<64x1xi32> to vector<1x64x1xi32>
    tpu.vector_store %arg8[%swap3A_353, %swap3A_354, %swap3A_355], %swap3A_358 {strides = array<i32>} : memref<1x64x32xi32, #tpu.memory_space<vmem>>, vector<1x64x1xi32>,
    %eq3A_359 = vector.broadcast %broadcast_in_dim3A_352 : vector<64x1xi32> to vector<64x8192xi32>
    %eq3A_360 = arith.cmpi eq, %iota3A, %eq3A_359 : vector<64x8192xi32>
    %jit3A_361 = arith.constant 0x7F800000 : f32
    %broadcast_in_dim3A_362 = vector.broadcast %jit3A_361 : f32 to vector<64x8192xf32>
    %select_n3A_363 = arith.select %eq3A_360, %broadcast_in_dim3A_362, %select_n3A_341 : vector<64x8192xi1>, vector<64x8192xf32>
    %reduce_min3A_364 = arith.constant dense<0x7F800000> : vector<64xf32>
    %reduce_min3A_365 = vector.multi_reduction <minimumf>, %select_n3A_363, %reduce_min3A_364 [1] : vector<64x8192xf32> to vector<64xf32>
    %broadcast_in_dim3A_366 = vector.shape_cast %reduce_min3A_365 : vector<64xf32> to vector<64x1xf32>
    %eq3A_367 = vector.broadcast %broadcast_in_dim3A_366 : vector<64x1xf32> to vector<64x8192xf32>
    %eq3A_368 = arith.cmpf oeq, %select_n3A_363, %eq3A_367 : vector<64x8192xf32>
    %jit3A_369 = arith.constant 8192 : i32
    %broadcast_in_dim3A_370 = vector.broadcast %jit3A_369 : i32 to vector<64x8192xi32>
    %select_n3A_371 = arith.select %eq3A_368, %iota3A, %broadcast_in_dim3A_370 : vector<64x8192xi1>, vector<64x8192xi32>
    %reduce_min3A_372 = arith.constant dense<2147483647> : vector<64xi32>
    %reduce_min3A_373 = vector.multi_reduction <minsi>, %select_n3A_371, %reduce_min3A_372 [1] : vector<64x8192xi32> to vector<64xi32>
    %broadcast_in_dim3A_374 = vector.shape_cast %reduce_min3A_373 : vector<64xi32> to vector<64x1xi32>
    %swap3A_375 = arith.constant 0 : index
    %swap3A_376 = arith.constant 0 : index
    %swap3A_377 = arith.constant 15 : index
    %swap3A_378 = vector.load %arg8[%swap3A_375, %swap3A_376, %swap3A_377] : memref<1x64x32xi32, #tpu.memory_space<vmem>>, vector<1x64x1xi32>
    %swap3A_379 = vector.shape_cast %swap3A_378 : vector<1x64x1xi32> to vector<64x1xi32>
    %swap3A_380 = vector.shape_cast %broadcast_in_dim3A_374 : vector<64x1xi32> to vector<1x64x1xi32>
    tpu.vector_store %arg8[%swap3A_375, %swap3A_376, %swap3A_377], %swap3A_380 {strides = array<i32>} : memref<1x64x32xi32, #tpu.memory_space<vmem>>, vector<1x64x1xi32>,
    %eq3A_381 = vector.broadcast %broadcast_in_dim3A_374 : vector<64x1xi32> to vector<64x8192xi32>
    %eq3A_382 = arith.cmpi eq, %iota3A, %eq3A_381 : vector<64x8192xi32>
    %jit3A_383 = arith.constant 0x7F800000 : f32
    %broadcast_in_dim3A_384 = vector.broadcast %jit3A_383 : f32 to vector<64x8192xf32>
    %select_n3A_385 = arith.select %eq3A_382, %broadcast_in_dim3A_384, %select_n3A_363 : vector<64x8192xi1>, vector<64x8192xf32>
    %reduce_min3A_386 = arith.constant dense<0x7F800000> : vector<64xf32>
    %reduce_min3A_387 = vector.multi_reduction <minimumf>, %select_n3A_385, %reduce_min3A_386 [1] : vector<64x8192xf32> to vector<64xf32>
    %broadcast_in_dim3A_388 = vector.shape_cast %reduce_min3A_387 : vector<64xf32> to vector<64x1xf32>
    %eq3A_389 = vector.broadcast %broadcast_in_dim3A_388 : vector<64x1xf32> to vector<64x8192xf32>
    %eq3A_390 = arith.cmpf oeq, %select_n3A_385, %eq3A_389 : vector<64x8192xf32>
    %jit3A_391 = arith.constant 8192 : i32
    %broadcast_in_dim3A_392 = vector.broadcast %jit3A_391 : i32 to vector<64x8192xi32>
    %select_n3A_393 = arith.select %eq3A_390, %iota3A, %broadcast_in_dim3A_392 : vector<64x8192xi1>, vector<64x8192xi32>
    %reduce_min3A_394 = arith.constant dense<2147483647> : vector<64xi32>
    %reduce_min3A_395 = vector.multi_reduction <minsi>, %select_n3A_393, %reduce_min3A_394 [1] : vector<64x8192xi32> to vector<64xi32>
    %broadcast_in_dim3A_396 = vector.shape_cast %reduce_min3A_395 : vector<64xi32> to vector<64x1xi32>
    %swap3A_397 = arith.constant 0 : index
    %swap3A_398 = arith.constant 0 : index
    %swap3A_399 = arith.constant 16 : index
    %swap3A_400 = vector.load %arg8[%swap3A_397, %swap3A_398, %swap3A_399] : memref<1x64x32xi32, #tpu.memory_space<vmem>>, vector<1x64x1xi32>
    %swap3A_401 = vector.shape_cast %swap3A_400 : vector<1x64x1xi32> to vector<64x1xi32>
    %swap3A_402 = vector.shape_cast %broadcast_in_dim3A_396 : vector<64x1xi32> to vector<1x64x1xi32>
    tpu.vector_store %arg8[%swap3A_397, %swap3A_398, %swap3A_399], %swap3A_402 {strides = array<i32>} : memref<1x64x32xi32, #tpu.memory_space<vmem>>, vector<1x64x1xi32>,
    %eq3A_403 = vector.broadcast %broadcast_in_dim3A_396 : vector<64x1xi32> to vector<64x8192xi32>
    %eq3A_404 = arith.cmpi eq, %iota3A, %eq3A_403 : vector<64x8192xi32>
    %jit3A_405 = arith.constant 0x7F800000 : f32
    %broadcast_in_dim3A_406 = vector.broadcast %jit3A_405 : f32 to vector<64x8192xf32>
    %select_n3A_407 = arith.select %eq3A_404, %broadcast_in_dim3A_406, %select_n3A_385 : vector<64x8192xi1>, vector<64x8192xf32>
    %reduce_min3A_408 = arith.constant dense<0x7F800000> : vector<64xf32>
    %reduce_min3A_409 = vector.multi_reduction <minimumf>, %select_n3A_407, %reduce_min3A_408 [1] : vector<64x8192xf32> to vector<64xf32>
    %broadcast_in_dim3A_410 = vector.shape_cast %reduce_min3A_409 : vector<64xf32> to vector<64x1xf32>
    %eq3A_411 = vector.broadcast %broadcast_in_dim3A_410 : vector<64x1xf32> to vector<64x8192xf32>
    %eq3A_412 = arith.cmpf oeq, %select_n3A_407, %eq3A_411 : vector<64x8192xf32>
    %jit3A_413 = arith.constant 8192 : i32
    %broadcast_in_dim3A_414 = vector.broadcast %jit3A_413 : i32 to vector<64x8192xi32>
    %select_n3A_415 = arith.select %eq3A_412, %iota3A, %broadcast_in_dim3A_414 : vector<64x8192xi1>, vector<64x8192xi32>
    %reduce_min3A_416 = arith.constant dense<2147483647> : vector<64xi32>
    %reduce_min3A_417 = vector.multi_reduction <minsi>, %select_n3A_415, %reduce_min3A_416 [1] : vector<64x8192xi32> to vector<64xi32>
    %broadcast_in_dim3A_418 = vector.shape_cast %reduce_min3A_417 : vector<64xi32> to vector<64x1xi32>
    %swap3A_419 = arith.constant 0 : index
    %swap3A_420 = arith.constant 0 : index
    %swap3A_421 = arith.constant 17 : index
    %swap3A_422 = vector.load %arg8[%swap3A_419, %swap3A_420, %swap3A_421] : memref<1x64x32xi32, #tpu.memory_space<vmem>>, vector<1x64x1xi32>
    %swap3A_423 = vector.shape_cast %swap3A_422 : vector<1x64x1xi32> to vector<64x1xi32>
    %swap3A_424 = vector.shape_cast %broadcast_in_dim3A_418 : vector<64x1xi32> to vector<1x64x1xi32>
    tpu.vector_store %arg8[%swap3A_419, %swap3A_420, %swap3A_421], %swap3A_424 {strides = array<i32>} : memref<1x64x32xi32, #tpu.memory_space<vmem>>, vector<1x64x1xi32>,
    %eq3A_425 = vector.broadcast %broadcast_in_dim3A_418 : vector<64x1xi32> to vector<64x8192xi32>
    %eq3A_426 = arith.cmpi eq, %iota3A, %eq3A_425 : vector<64x8192xi32>
    %jit3A_427 = arith.constant 0x7F800000 : f32
    %broadcast_in_dim3A_428 = vector.broadcast %jit3A_427 : f32 to vector<64x8192xf32>
    %select_n3A_429 = arith.select %eq3A_426, %broadcast_in_dim3A_428, %select_n3A_407 : vector<64x8192xi1>, vector<64x8192xf32>
    %reduce_min3A_430 = arith.constant dense<0x7F800000> : vector<64xf32>
    %reduce_min3A_431 = vector.multi_reduction <minimumf>, %select_n3A_429, %reduce_min3A_430 [1] : vector<64x8192xf32> to vector<64xf32>
    %broadcast_in_dim3A_432 = vector.shape_cast %reduce_min3A_431 : vector<64xf32> to vector<64x1xf32>
    %eq3A_433 = vector.broadcast %broadcast_in_dim3A_432 : vector<64x1xf32> to vector<64x8192xf32>
    %eq3A_434 = arith.cmpf oeq, %select_n3A_429, %eq3A_433 : vector<64x8192xf32>
    %jit3A_435 = arith.constant 8192 : i32
    %broadcast_in_dim3A_436 = vector.broadcast %jit3A_435 : i32 to vector<64x8192xi32>
    %select_n3A_437 = arith.select %eq3A_434, %iota3A, %broadcast_in_dim3A_436 : vector<64x8192xi1>, vector<64x8192xi32>
    %reduce_min3A_438 = arith.constant dense<2147483647> : vector<64xi32>
    %reduce_min3A_439 = vector.multi_reduction <minsi>, %select_n3A_437, %reduce_min3A_438 [1] : vector<64x8192xi32> to vector<64xi32>
    %broadcast_in_dim3A_440 = vector.shape_cast %reduce_min3A_439 : vector<64xi32> to vector<64x1xi32>
    %swap3A_441 = arith.constant 0 : index
    %swap3A_442 = arith.constant 0 : index
    %swap3A_443 = arith.constant 18 : index
    %swap3A_444 = vector.load %arg8[%swap3A_441, %swap3A_442, %swap3A_443] : memref<1x64x32xi32, #tpu.memory_space<vmem>>, vector<1x64x1xi32>
    %swap3A_445 = vector.shape_cast %swap3A_444 : vector<1x64x1xi32> to vector<64x1xi32>
    %swap3A_446 = vector.shape_cast %broadcast_in_dim3A_440 : vector<64x1xi32> to vector<1x64x1xi32>
    tpu.vector_store %arg8[%swap3A_441, %swap3A_442, %swap3A_443], %swap3A_446 {strides = array<i32>} : memref<1x64x32xi32, #tpu.memory_space<vmem>>, vector<1x64x1xi32>,
    %eq3A_447 = vector.broadcast %broadcast_in_dim3A_440 : vector<64x1xi32> to vector<64x8192xi32>
    %eq3A_448 = arith.cmpi eq, %iota3A, %eq3A_447 : vector<64x8192xi32>
    %jit3A_449 = arith.constant 0x7F800000 : f32
    %broadcast_in_dim3A_450 = vector.broadcast %jit3A_449 : f32 to vector<64x8192xf32>
    %select_n3A_451 = arith.select %eq3A_448, %broadcast_in_dim3A_450, %select_n3A_429 : vector<64x8192xi1>, vector<64x8192xf32>
    %reduce_min3A_452 = arith.constant dense<0x7F800000> : vector<64xf32>
    %reduce_min3A_453 = vector.multi_reduction <minimumf>, %select_n3A_451, %reduce_min3A_452 [1] : vector<64x8192xf32> to vector<64xf32>
    %broadcast_in_dim3A_454 = vector.shape_cast %reduce_min3A_453 : vector<64xf32> to vector<64x1xf32>
    %eq3A_455 = vector.broadcast %broadcast_in_dim3A_454 : vector<64x1xf32> to vector<64x8192xf32>
    %eq3A_456 = arith.cmpf oeq, %select_n3A_451, %eq3A_455 : vector<64x8192xf32>
    %jit3A_457 = arith.constant 8192 : i32
    %broadcast_in_dim3A_458 = vector.broadcast %jit3A_457 : i32 to vector<64x8192xi32>
    %select_n3A_459 = arith.select %eq3A_456, %iota3A, %broadcast_in_dim3A_458 : vector<64x8192xi1>, vector<64x8192xi32>
    %reduce_min3A_460 = arith.constant dense<2147483647> : vector<64xi32>
    %reduce_min3A_461 = vector.multi_reduction <minsi>, %select_n3A_459, %reduce_min3A_460 [1] : vector<64x8192xi32> to vector<64xi32>
    %broadcast_in_dim3A_462 = vector.shape_cast %reduce_min3A_461 : vector<64xi32> to vector<64x1xi32>
    %swap3A_463 = arith.constant 0 : index
    %swap3A_464 = arith.constant 0 : index
    %swap3A_465 = arith.constant 19 : index
    %swap3A_466 = vector.load %arg8[%swap3A_463, %swap3A_464, %swap3A_465] : memref<1x64x32xi32, #tpu.memory_space<vmem>>, vector<1x64x1xi32>
    %swap3A_467 = vector.shape_cast %swap3A_466 : vector<1x64x1xi32> to vector<64x1xi32>
    %swap3A_468 = vector.shape_cast %broadcast_in_dim3A_462 : vector<64x1xi32> to vector<1x64x1xi32>
    tpu.vector_store %arg8[%swap3A_463, %swap3A_464, %swap3A_465], %swap3A_468 {strides = array<i32>} : memref<1x64x32xi32, #tpu.memory_space<vmem>>, vector<1x64x1xi32>,
    %eq3A_469 = vector.broadcast %broadcast_in_dim3A_462 : vector<64x1xi32> to vector<64x8192xi32>
    %eq3A_470 = arith.cmpi eq, %iota3A, %eq3A_469 : vector<64x8192xi32>
    %jit3A_471 = arith.constant 0x7F800000 : f32
    %broadcast_in_dim3A_472 = vector.broadcast %jit3A_471 : f32 to vector<64x8192xf32>
    %select_n3A_473 = arith.select %eq3A_470, %broadcast_in_dim3A_472, %select_n3A_451 : vector<64x8192xi1>, vector<64x8192xf32>
    %reduce_min3A_474 = arith.constant dense<0x7F800000> : vector<64xf32>
    %reduce_min3A_475 = vector.multi_reduction <minimumf>, %select_n3A_473, %reduce_min3A_474 [1] : vector<64x8192xf32> to vector<64xf32>
    %broadcast_in_dim3A_476 = vector.shape_cast %reduce_min3A_475 : vector<64xf32> to vector<64x1xf32>
    %eq3A_477 = vector.broadcast %broadcast_in_dim3A_476 : vector<64x1xf32> to vector<64x8192xf32>
    %eq3A_478 = arith.cmpf oeq, %select_n3A_473, %eq3A_477 : vector<64x8192xf32>
    %jit3A_479 = arith.constant 8192 : i32
    %broadcast_in_dim3A_480 = vector.broadcast %jit3A_479 : i32 to vector<64x8192xi32>
    %select_n3A_481 = arith.select %eq3A_478, %iota3A, %broadcast_in_dim3A_480 : vector<64x8192xi1>, vector<64x8192xi32>
    %reduce_min3A_482 = arith.constant dense<2147483647> : vector<64xi32>
    %reduce_min3A_483 = vector.multi_reduction <minsi>, %select_n3A_481, %reduce_min3A_482 [1] : vector<64x8192xi32> to vector<64xi32>
    %broadcast_in_dim3A_484 = vector.shape_cast %reduce_min3A_483 : vector<64xi32> to vector<64x1xi32>
    %swap3A_485 = arith.constant 0 : index
    %swap3A_486 = arith.constant 0 : index
    %swap3A_487 = arith.constant 20 : index
    %swap3A_488 = vector.load %arg8[%swap3A_485, %swap3A_486, %swap3A_487] : memref<1x64x32xi32, #tpu.memory_space<vmem>>, vector<1x64x1xi32>
    %swap3A_489 = vector.shape_cast %swap3A_488 : vector<1x64x1xi32> to vector<64x1xi32>
    %swap3A_490 = vector.shape_cast %broadcast_in_dim3A_484 : vector<64x1xi32> to vector<1x64x1xi32>
    tpu.vector_store %arg8[%swap3A_485, %swap3A_486, %swap3A_487], %swap3A_490 {strides = array<i32>} : memref<1x64x32xi32, #tpu.memory_space<vmem>>, vector<1x64x1xi32>,
    %eq3A_491 = vector.broadcast %broadcast_in_dim3A_484 : vector<64x1xi32> to vector<64x8192xi32>
    %eq3A_492 = arith.cmpi eq, %iota3A, %eq3A_491 : vector<64x8192xi32>
    %jit3A_493 = arith.constant 0x7F800000 : f32
    %broadcast_in_dim3A_494 = vector.broadcast %jit3A_493 : f32 to vector<64x8192xf32>
    %select_n3A_495 = arith.select %eq3A_492, %broadcast_in_dim3A_494, %select_n3A_473 : vector<64x8192xi1>, vector<64x8192xf32>
    %reduce_min3A_496 = arith.constant dense<0x7F800000> : vector<64xf32>
    %reduce_min3A_497 = vector.multi_reduction <minimumf>, %select_n3A_495, %reduce_min3A_496 [1] : vector<64x8192xf32> to vector<64xf32>
    %broadcast_in_dim3A_498 = vector.shape_cast %reduce_min3A_497 : vector<64xf32> to vector<64x1xf32>
    %eq3A_499 = vector.broadcast %broadcast_in_dim3A_498 : vector<64x1xf32> to vector<64x8192xf32>
    %eq3A_500 = arith.cmpf oeq, %select_n3A_495, %eq3A_499 : vector<64x8192xf32>
    %jit3A_501 = arith.constant 8192 : i32
    %broadcast_in_dim3A_502 = vector.broadcast %jit3A_501 : i32 to vector<64x8192xi32>
    %select_n3A_503 = arith.select %eq3A_500, %iota3A, %broadcast_in_dim3A_502 : vector<64x8192xi1>, vector<64x8192xi32>
    %reduce_min3A_504 = arith.constant dense<2147483647> : vector<64xi32>
    %reduce_min3A_505 = vector.multi_reduction <minsi>, %select_n3A_503, %reduce_min3A_504 [1] : vector<64x8192xi32> to vector<64xi32>
    %broadcast_in_dim3A_506 = vector.shape_cast %reduce_min3A_505 : vector<64xi32> to vector<64x1xi32>
    %swap3A_507 = arith.constant 0 : index
    %swap3A_508 = arith.constant 0 : index
    %swap3A_509 = arith.constant 21 : index
    %swap3A_510 = vector.load %arg8[%swap3A_507, %swap3A_508, %swap3A_509] : memref<1x64x32xi32, #tpu.memory_space<vmem>>, vector<1x64x1xi32>
    %swap3A_511 = vector.shape_cast %swap3A_510 : vector<1x64x1xi32> to vector<64x1xi32>
    %swap3A_512 = vector.shape_cast %broadcast_in_dim3A_506 : vector<64x1xi32> to vector<1x64x1xi32>
    tpu.vector_store %arg8[%swap3A_507, %swap3A_508, %swap3A_509], %swap3A_512 {strides = array<i32>} : memref<1x64x32xi32, #tpu.memory_space<vmem>>, vector<1x64x1xi32>,
    %eq3A_513 = vector.broadcast %broadcast_in_dim3A_506 : vector<64x1xi32> to vector<64x8192xi32>
    %eq3A_514 = arith.cmpi eq, %iota3A, %eq3A_513 : vector<64x8192xi32>
    %jit3A_515 = arith.constant 0x7F800000 : f32
    %broadcast_in_dim3A_516 = vector.broadcast %jit3A_515 : f32 to vector<64x8192xf32>
    %select_n3A_517 = arith.select %eq3A_514, %broadcast_in_dim3A_516, %select_n3A_495 : vector<64x8192xi1>, vector<64x8192xf32>
    %reduce_min3A_518 = arith.constant dense<0x7F800000> : vector<64xf32>
    %reduce_min3A_519 = vector.multi_reduction <minimumf>, %select_n3A_517, %reduce_min3A_518 [1] : vector<64x8192xf32> to vector<64xf32>
    %broadcast_in_dim3A_520 = vector.shape_cast %reduce_min3A_519 : vector<64xf32> to vector<64x1xf32>
    %eq3A_521 = vector.broadcast %broadcast_in_dim3A_520 : vector<64x1xf32> to vector<64x8192xf32>
    %eq3A_522 = arith.cmpf oeq, %select_n3A_517, %eq3A_521 : vector<64x8192xf32>
    %jit3A_523 = arith.constant 8192 : i32
    %broadcast_in_dim3A_524 = vector.broadcast %jit3A_523 : i32 to vector<64x8192xi32>
    %select_n3A_525 = arith.select %eq3A_522, %iota3A, %broadcast_in_dim3A_524 : vector<64x8192xi1>, vector<64x8192xi32>
    %reduce_min3A_526 = arith.constant dense<2147483647> : vector<64xi32>
    %reduce_min3A_527 = vector.multi_reduction <minsi>, %select_n3A_525, %reduce_min3A_526 [1] : vector<64x8192xi32> to vector<64xi32>
    %broadcast_in_dim3A_528 = vector.shape_cast %reduce_min3A_527 : vector<64xi32> to vector<64x1xi32>
    %swap3A_529 = arith.constant 0 : index
    %swap3A_530 = arith.constant 0 : index
    %swap3A_531 = arith.constant 22 : index
    %swap3A_532 = vector.load %arg8[%swap3A_529, %swap3A_530, %swap3A_531] : memref<1x64x32xi32, #tpu.memory_space<vmem>>, vector<1x64x1xi32>
    %swap3A_533 = vector.shape_cast %swap3A_532 : vector<1x64x1xi32> to vector<64x1xi32>
    %swap3A_534 = vector.shape_cast %broadcast_in_dim3A_528 : vector<64x1xi32> to vector<1x64x1xi32>
    tpu.vector_store %arg8[%swap3A_529, %swap3A_530, %swap3A_531], %swap3A_534 {strides = array<i32>} : memref<1x64x32xi32, #tpu.memory_space<vmem>>, vector<1x64x1xi32>,
    %eq3A_535 = vector.broadcast %broadcast_in_dim3A_528 : vector<64x1xi32> to vector<64x8192xi32>
    %eq3A_536 = arith.cmpi eq, %iota3A, %eq3A_535 : vector<64x8192xi32>
    %jit3A_537 = arith.constant 0x7F800000 : f32
    %broadcast_in_dim3A_538 = vector.broadcast %jit3A_537 : f32 to vector<64x8192xf32>
    %select_n3A_539 = arith.select %eq3A_536, %broadcast_in_dim3A_538, %select_n3A_517 : vector<64x8192xi1>, vector<64x8192xf32>
    %reduce_min3A_540 = arith.constant dense<0x7F800000> : vector<64xf32>
    %reduce_min3A_541 = vector.multi_reduction <minimumf>, %select_n3A_539, %reduce_min3A_540 [1] : vector<64x8192xf32> to vector<64xf32>
    %broadcast_in_dim3A_542 = vector.shape_cast %reduce_min3A_541 : vector<64xf32> to vector<64x1xf32>
    %eq3A_543 = vector.broadcast %broadcast_in_dim3A_542 : vector<64x1xf32> to vector<64x8192xf32>
    %eq3A_544 = arith.cmpf oeq, %select_n3A_539, %eq3A_543 : vector<64x8192xf32>
    %jit3A_545 = arith.constant 8192 : i32
    %broadcast_in_dim3A_546 = vector.broadcast %jit3A_545 : i32 to vector<64x8192xi32>
    %select_n3A_547 = arith.select %eq3A_544, %iota3A, %broadcast_in_dim3A_546 : vector<64x8192xi1>, vector<64x8192xi32>
    %reduce_min3A_548 = arith.constant dense<2147483647> : vector<64xi32>
    %reduce_min3A_549 = vector.multi_reduction <minsi>, %select_n3A_547, %reduce_min3A_548 [1] : vector<64x8192xi32> to vector<64xi32>
    %broadcast_in_dim3A_550 = vector.shape_cast %reduce_min3A_549 : vector<64xi32> to vector<64x1xi32>
    %swap3A_551 = arith.constant 0 : index
    %swap3A_552 = arith.constant 0 : index
    %swap3A_553 = arith.constant 23 : index
    %swap3A_554 = vector.load %arg8[%swap3A_551, %swap3A_552, %swap3A_553] : memref<1x64x32xi32, #tpu.memory_space<vmem>>, vector<1x64x1xi32>
    %swap3A_555 = vector.shape_cast %swap3A_554 : vector<1x64x1xi32> to vector<64x1xi32>
    %swap3A_556 = vector.shape_cast %broadcast_in_dim3A_550 : vector<64x1xi32> to vector<1x64x1xi32>
    tpu.vector_store %arg8[%swap3A_551, %swap3A_552, %swap3A_553], %swap3A_556 {strides = array<i32>} : memref<1x64x32xi32, #tpu.memory_space<vmem>>, vector<1x64x1xi32>,
    %eq3A_557 = vector.broadcast %broadcast_in_dim3A_550 : vector<64x1xi32> to vector<64x8192xi32>
    %eq3A_558 = arith.cmpi eq, %iota3A, %eq3A_557 : vector<64x8192xi32>
    %jit3A_559 = arith.constant 0x7F800000 : f32
    %broadcast_in_dim3A_560 = vector.broadcast %jit3A_559 : f32 to vector<64x8192xf32>
    %select_n3A_561 = arith.select %eq3A_558, %broadcast_in_dim3A_560, %select_n3A_539 : vector<64x8192xi1>, vector<64x8192xf32>
    %reduce_min3A_562 = arith.constant dense<0x7F800000> : vector<64xf32>
    %reduce_min3A_563 = vector.multi_reduction <minimumf>, %select_n3A_561, %reduce_min3A_562 [1] : vector<64x8192xf32> to vector<64xf32>
    %broadcast_in_dim3A_564 = vector.shape_cast %reduce_min3A_563 : vector<64xf32> to vector<64x1xf32>
    %eq3A_565 = vector.broadcast %broadcast_in_dim3A_564 : vector<64x1xf32> to vector<64x8192xf32>
    %eq3A_566 = arith.cmpf oeq, %select_n3A_561, %eq3A_565 : vector<64x8192xf32>
    %jit3A_567 = arith.constant 8192 : i32
    %broadcast_in_dim3A_568 = vector.broadcast %jit3A_567 : i32 to vector<64x8192xi32>
    %select_n3A_569 = arith.select %eq3A_566, %iota3A, %broadcast_in_dim3A_568 : vector<64x8192xi1>, vector<64x8192xi32>
    %reduce_min3A_570 = arith.constant dense<2147483647> : vector<64xi32>
    %reduce_min3A_571 = vector.multi_reduction <minsi>, %select_n3A_569, %reduce_min3A_570 [1] : vector<64x8192xi32> to vector<64xi32>
    %broadcast_in_dim3A_572 = vector.shape_cast %reduce_min3A_571 : vector<64xi32> to vector<64x1xi32>
    %swap3A_573 = arith.constant 0 : index
    %swap3A_574 = arith.constant 0 : index
    %swap3A_575 = arith.constant 24 : index
    %swap3A_576 = vector.load %arg8[%swap3A_573, %swap3A_574, %swap3A_575] : memref<1x64x32xi32, #tpu.memory_space<vmem>>, vector<1x64x1xi32>
    %swap3A_577 = vector.shape_cast %swap3A_576 : vector<1x64x1xi32> to vector<64x1xi32>
    %swap3A_578 = vector.shape_cast %broadcast_in_dim3A_572 : vector<64x1xi32> to vector<1x64x1xi32>
    tpu.vector_store %arg8[%swap3A_573, %swap3A_574, %swap3A_575], %swap3A_578 {strides = array<i32>} : memref<1x64x32xi32, #tpu.memory_space<vmem>>, vector<1x64x1xi32>,
    %eq3A_579 = vector.broadcast %broadcast_in_dim3A_572 : vector<64x1xi32> to vector<64x8192xi32>
    %eq3A_580 = arith.cmpi eq, %iota3A, %eq3A_579 : vector<64x8192xi32>
    %jit3A_581 = arith.constant 0x7F800000 : f32
    %broadcast_in_dim3A_582 = vector.broadcast %jit3A_581 : f32 to vector<64x8192xf32>
    %select_n3A_583 = arith.select %eq3A_580, %broadcast_in_dim3A_582, %select_n3A_561 : vector<64x8192xi1>, vector<64x8192xf32>
    %reduce_min3A_584 = arith.constant dense<0x7F800000> : vector<64xf32>
    %reduce_min3A_585 = vector.multi_reduction <minimumf>, %select_n3A_583, %reduce_min3A_584 [1] : vector<64x8192xf32> to vector<64xf32>
    %broadcast_in_dim3A_586 = vector.shape_cast %reduce_min3A_585 : vector<64xf32> to vector<64x1xf32>
    %eq3A_587 = vector.broadcast %broadcast_in_dim3A_586 : vector<64x1xf32> to vector<64x8192xf32>
    %eq3A_588 = arith.cmpf oeq, %select_n3A_583, %eq3A_587 : vector<64x8192xf32>
    %jit3A_589 = arith.constant 8192 : i32
    %broadcast_in_dim3A_590 = vector.broadcast %jit3A_589 : i32 to vector<64x8192xi32>
    %select_n3A_591 = arith.select %eq3A_588, %iota3A, %broadcast_in_dim3A_590 : vector<64x8192xi1>, vector<64x8192xi32>
    %reduce_min3A_592 = arith.constant dense<2147483647> : vector<64xi32>
    %reduce_min3A_593 = vector.multi_reduction <minsi>, %select_n3A_591, %reduce_min3A_592 [1] : vector<64x8192xi32> to vector<64xi32>
    %broadcast_in_dim3A_594 = vector.shape_cast %reduce_min3A_593 : vector<64xi32> to vector<64x1xi32>
    %swap3A_595 = arith.constant 0 : index
    %swap3A_596 = arith.constant 0 : index
    %swap3A_597 = arith.constant 25 : index
    %swap3A_598 = vector.load %arg8[%swap3A_595, %swap3A_596, %swap3A_597] : memref<1x64x32xi32, #tpu.memory_space<vmem>>, vector<1x64x1xi32>
    %swap3A_599 = vector.shape_cast %swap3A_598 : vector<1x64x1xi32> to vector<64x1xi32>
    %swap3A_600 = vector.shape_cast %broadcast_in_dim3A_594 : vector<64x1xi32> to vector<1x64x1xi32>
    tpu.vector_store %arg8[%swap3A_595, %swap3A_596, %swap3A_597], %swap3A_600 {strides = array<i32>} : memref<1x64x32xi32, #tpu.memory_space<vmem>>, vector<1x64x1xi32>,
    %eq3A_601 = vector.broadcast %broadcast_in_dim3A_594 : vector<64x1xi32> to vector<64x8192xi32>
    %eq3A_602 = arith.cmpi eq, %iota3A, %eq3A_601 : vector<64x8192xi32>
    %jit3A_603 = arith.constant 0x7F800000 : f32
    %broadcast_in_dim3A_604 = vector.broadcast %jit3A_603 : f32 to vector<64x8192xf32>
    %select_n3A_605 = arith.select %eq3A_602, %broadcast_in_dim3A_604, %select_n3A_583 : vector<64x8192xi1>, vector<64x8192xf32>
    %reduce_min3A_606 = arith.constant dense<0x7F800000> : vector<64xf32>
    %reduce_min3A_607 = vector.multi_reduction <minimumf>, %select_n3A_605, %reduce_min3A_606 [1] : vector<64x8192xf32> to vector<64xf32>
    %broadcast_in_dim3A_608 = vector.shape_cast %reduce_min3A_607 : vector<64xf32> to vector<64x1xf32>
    %eq3A_609 = vector.broadcast %broadcast_in_dim3A_608 : vector<64x1xf32> to vector<64x8192xf32>
    %eq3A_610 = arith.cmpf oeq, %select_n3A_605, %eq3A_609 : vector<64x8192xf32>
    %jit3A_611 = arith.constant 8192 : i32
    %broadcast_in_dim3A_612 = vector.broadcast %jit3A_611 : i32 to vector<64x8192xi32>
    %select_n3A_613 = arith.select %eq3A_610, %iota3A, %broadcast_in_dim3A_612 : vector<64x8192xi1>, vector<64x8192xi32>
    %reduce_min3A_614 = arith.constant dense<2147483647> : vector<64xi32>
    %reduce_min3A_615 = vector.multi_reduction <minsi>, %select_n3A_613, %reduce_min3A_614 [1] : vector<64x8192xi32> to vector<64xi32>
    %broadcast_in_dim3A_616 = vector.shape_cast %reduce_min3A_615 : vector<64xi32> to vector<64x1xi32>
    %swap3A_617 = arith.constant 0 : index
    %swap3A_618 = arith.constant 0 : index
    %swap3A_619 = arith.constant 26 : index
    %swap3A_620 = vector.load %arg8[%swap3A_617, %swap3A_618, %swap3A_619] : memref<1x64x32xi32, #tpu.memory_space<vmem>>, vector<1x64x1xi32>
    %swap3A_621 = vector.shape_cast %swap3A_620 : vector<1x64x1xi32> to vector<64x1xi32>
    %swap3A_622 = vector.shape_cast %broadcast_in_dim3A_616 : vector<64x1xi32> to vector<1x64x1xi32>
    tpu.vector_store %arg8[%swap3A_617, %swap3A_618, %swap3A_619], %swap3A_622 {strides = array<i32>} : memref<1x64x32xi32, #tpu.memory_space<vmem>>, vector<1x64x1xi32>,
    %eq3A_623 = vector.broadcast %broadcast_in_dim3A_616 : vector<64x1xi32> to vector<64x8192xi32>
    %eq3A_624 = arith.cmpi eq, %iota3A, %eq3A_623 : vector<64x8192xi32>
    %jit3A_625 = arith.constant 0x7F800000 : f32
    %broadcast_in_dim3A_626 = vector.broadcast %jit3A_625 : f32 to vector<64x8192xf32>
    %select_n3A_627 = arith.select %eq3A_624, %broadcast_in_dim3A_626, %select_n3A_605 : vector<64x8192xi1>, vector<64x8192xf32>
    %reduce_min3A_628 = arith.constant dense<0x7F800000> : vector<64xf32>
    %reduce_min3A_629 = vector.multi_reduction <minimumf>, %select_n3A_627, %reduce_min3A_628 [1] : vector<64x8192xf32> to vector<64xf32>
    %broadcast_in_dim3A_630 = vector.shape_cast %reduce_min3A_629 : vector<64xf32> to vector<64x1xf32>
    %eq3A_631 = vector.broadcast %broadcast_in_dim3A_630 : vector<64x1xf32> to vector<64x8192xf32>
    %eq3A_632 = arith.cmpf oeq, %select_n3A_627, %eq3A_631 : vector<64x8192xf32>
    %jit3A_633 = arith.constant 8192 : i32
    %broadcast_in_dim3A_634 = vector.broadcast %jit3A_633 : i32 to vector<64x8192xi32>
    %select_n3A_635 = arith.select %eq3A_632, %iota3A, %broadcast_in_dim3A_634 : vector<64x8192xi1>, vector<64x8192xi32>
    %reduce_min3A_636 = arith.constant dense<2147483647> : vector<64xi32>
    %reduce_min3A_637 = vector.multi_reduction <minsi>, %select_n3A_635, %reduce_min3A_636 [1] : vector<64x8192xi32> to vector<64xi32>
    %broadcast_in_dim3A_638 = vector.shape_cast %reduce_min3A_637 : vector<64xi32> to vector<64x1xi32>
    %swap3A_639 = arith.constant 0 : index
    %swap3A_640 = arith.constant 0 : index
    %swap3A_641 = arith.constant 27 : index
    %swap3A_642 = vector.load %arg8[%swap3A_639, %swap3A_640, %swap3A_641] : memref<1x64x32xi32, #tpu.memory_space<vmem>>, vector<1x64x1xi32>
    %swap3A_643 = vector.shape_cast %swap3A_642 : vector<1x64x1xi32> to vector<64x1xi32>
    %swap3A_644 = vector.shape_cast %broadcast_in_dim3A_638 : vector<64x1xi32> to vector<1x64x1xi32>
    tpu.vector_store %arg8[%swap3A_639, %swap3A_640, %swap3A_641], %swap3A_644 {strides = array<i32>} : memref<1x64x32xi32, #tpu.memory_space<vmem>>, vector<1x64x1xi32>,
    %eq3A_645 = vector.broadcast %broadcast_in_dim3A_638 : vector<64x1xi32> to vector<64x8192xi32>
    %eq3A_646 = arith.cmpi eq, %iota3A, %eq3A_645 : vector<64x8192xi32>
    %jit3A_647 = arith.constant 0x7F800000 : f32
    %broadcast_in_dim3A_648 = vector.broadcast %jit3A_647 : f32 to vector<64x8192xf32>
    %select_n3A_649 = arith.select %eq3A_646, %broadcast_in_dim3A_648, %select_n3A_627 : vector<64x8192xi1>, vector<64x8192xf32>
    %reduce_min3A_650 = arith.constant dense<0x7F800000> : vector<64xf32>
    %reduce_min3A_651 = vector.multi_reduction <minimumf>, %select_n3A_649, %reduce_min3A_650 [1] : vector<64x8192xf32> to vector<64xf32>
    %broadcast_in_dim3A_652 = vector.shape_cast %reduce_min3A_651 : vector<64xf32> to vector<64x1xf32>
    %eq3A_653 = vector.broadcast %broadcast_in_dim3A_652 : vector<64x1xf32> to vector<64x8192xf32>
    %eq3A_654 = arith.cmpf oeq, %select_n3A_649, %eq3A_653 : vector<64x8192xf32>
    %jit3A_655 = arith.constant 8192 : i32
    %broadcast_in_dim3A_656 = vector.broadcast %jit3A_655 : i32 to vector<64x8192xi32>
    %select_n3A_657 = arith.select %eq3A_654, %iota3A, %broadcast_in_dim3A_656 : vector<64x8192xi1>, vector<64x8192xi32>
    %reduce_min3A_658 = arith.constant dense<2147483647> : vector<64xi32>
    %reduce_min3A_659 = vector.multi_reduction <minsi>, %select_n3A_657, %reduce_min3A_658 [1] : vector<64x8192xi32> to vector<64xi32>
    %broadcast_in_dim3A_660 = vector.shape_cast %reduce_min3A_659 : vector<64xi32> to vector<64x1xi32>
    %swap3A_661 = arith.constant 0 : index
    %swap3A_662 = arith.constant 0 : index
    %swap3A_663 = arith.constant 28 : index
    %swap3A_664 = vector.load %arg8[%swap3A_661, %swap3A_662, %swap3A_663] : memref<1x64x32xi32, #tpu.memory_space<vmem>>, vector<1x64x1xi32>
    %swap3A_665 = vector.shape_cast %swap3A_664 : vector<1x64x1xi32> to vector<64x1xi32>
    %swap3A_666 = vector.shape_cast %broadcast_in_dim3A_660 : vector<64x1xi32> to vector<1x64x1xi32>
    tpu.vector_store %arg8[%swap3A_661, %swap3A_662, %swap3A_663], %swap3A_666 {strides = array<i32>} : memref<1x64x32xi32, #tpu.memory_space<vmem>>, vector<1x64x1xi32>,
    %eq3A_667 = vector.broadcast %broadcast_in_dim3A_660 : vector<64x1xi32> to vector<64x8192xi32>
    %eq3A_668 = arith.cmpi eq, %iota3A, %eq3A_667 : vector<64x8192xi32>
    %jit3A_669 = arith.constant 0x7F800000 : f32
    %broadcast_in_dim3A_670 = vector.broadcast %jit3A_669 : f32 to vector<64x8192xf32>
    %select_n3A_671 = arith.select %eq3A_668, %broadcast_in_dim3A_670, %select_n3A_649 : vector<64x8192xi1>, vector<64x8192xf32>
    %reduce_min3A_672 = arith.constant dense<0x7F800000> : vector<64xf32>
    %reduce_min3A_673 = vector.multi_reduction <minimumf>, %select_n3A_671, %reduce_min3A_672 [1] : vector<64x8192xf32> to vector<64xf32>
    %broadcast_in_dim3A_674 = vector.shape_cast %reduce_min3A_673 : vector<64xf32> to vector<64x1xf32>
    %eq3A_675 = vector.broadcast %broadcast_in_dim3A_674 : vector<64x1xf32> to vector<64x8192xf32>
    %eq3A_676 = arith.cmpf oeq, %select_n3A_671, %eq3A_675 : vector<64x8192xf32>
    %jit3A_677 = arith.constant 8192 : i32
    %broadcast_in_dim3A_678 = vector.broadcast %jit3A_677 : i32 to vector<64x8192xi32>
    %select_n3A_679 = arith.select %eq3A_676, %iota3A, %broadcast_in_dim3A_678 : vector<64x8192xi1>, vector<64x8192xi32>
    %reduce_min3A_680 = arith.constant dense<2147483647> : vector<64xi32>
    %reduce_min3A_681 = vector.multi_reduction <minsi>, %select_n3A_679, %reduce_min3A_680 [1] : vector<64x8192xi32> to vector<64xi32>
    %broadcast_in_dim3A_682 = vector.shape_cast %reduce_min3A_681 : vector<64xi32> to vector<64x1xi32>
    %swap3A_683 = arith.constant 0 : index
    %swap3A_684 = arith.constant 0 : index
    %swap3A_685 = arith.constant 29 : index
    %swap3A_686 = vector.load %arg8[%swap3A_683, %swap3A_684, %swap3A_685] : memref<1x64x32xi32, #tpu.memory_space<vmem>>, vector<1x64x1xi32>
    %swap3A_687 = vector.shape_cast %swap3A_686 : vector<1x64x1xi32> to vector<64x1xi32>
    %swap3A_688 = vector.shape_cast %broadcast_in_dim3A_682 : vector<64x1xi32> to vector<1x64x1xi32>
    tpu.vector_store %arg8[%swap3A_683, %swap3A_684, %swap3A_685], %swap3A_688 {strides = array<i32>} : memref<1x64x32xi32, #tpu.memory_space<vmem>>, vector<1x64x1xi32>,
    %eq3A_689 = vector.broadcast %broadcast_in_dim3A_682 : vector<64x1xi32> to vector<64x8192xi32>
    %eq3A_690 = arith.cmpi eq, %iota3A, %eq3A_689 : vector<64x8192xi32>
    %jit3A_691 = arith.constant 0x7F800000 : f32
    %broadcast_in_dim3A_692 = vector.broadcast %jit3A_691 : f32 to vector<64x8192xf32>
    %select_n3A_693 = arith.select %eq3A_690, %broadcast_in_dim3A_692, %select_n3A_671 : vector<64x8192xi1>, vector<64x8192xf32>
    %reduce_min3A_694 = arith.constant dense<0x7F800000> : vector<64xf32>
    %reduce_min3A_695 = vector.multi_reduction <minimumf>, %select_n3A_693, %reduce_min3A_694 [1] : vector<64x8192xf32> to vector<64xf32>
    %broadcast_in_dim3A_696 = vector.shape_cast %reduce_min3A_695 : vector<64xf32> to vector<64x1xf32>
    %eq3A_697 = vector.broadcast %broadcast_in_dim3A_696 : vector<64x1xf32> to vector<64x8192xf32>
    %eq3A_698 = arith.cmpf oeq, %select_n3A_693, %eq3A_697 : vector<64x8192xf32>
    %jit3A_699 = arith.constant 8192 : i32
    %broadcast_in_dim3A_700 = vector.broadcast %jit3A_699 : i32 to vector<64x8192xi32>
    %select_n3A_701 = arith.select %eq3A_698, %iota3A, %broadcast_in_dim3A_700 : vector<64x8192xi1>, vector<64x8192xi32>
    %reduce_min3A_702 = arith.constant dense<2147483647> : vector<64xi32>
    %reduce_min3A_703 = vector.multi_reduction <minsi>, %select_n3A_701, %reduce_min3A_702 [1] : vector<64x8192xi32> to vector<64xi32>
    %broadcast_in_dim3A_704 = vector.shape_cast %reduce_min3A_703 : vector<64xi32> to vector<64x1xi32>
    %swap3A_705 = arith.constant 0 : index
    %swap3A_706 = arith.constant 0 : index
    %swap3A_707 = arith.constant 30 : index
    %swap3A_708 = vector.load %arg8[%swap3A_705, %swap3A_706, %swap3A_707] : memref<1x64x32xi32, #tpu.memory_space<vmem>>, vector<1x64x1xi32>
    %swap3A_709 = vector.shape_cast %swap3A_708 : vector<1x64x1xi32> to vector<64x1xi32>
    %swap3A_710 = vector.shape_cast %broadcast_in_dim3A_704 : vector<64x1xi32> to vector<1x64x1xi32>
    tpu.vector_store %arg8[%swap3A_705, %swap3A_706, %swap3A_707], %swap3A_710 {strides = array<i32>} : memref<1x64x32xi32, #tpu.memory_space<vmem>>, vector<1x64x1xi32>,
    %eq3A_711 = vector.broadcast %broadcast_in_dim3A_704 : vector<64x1xi32> to vector<64x8192xi32>
    %eq3A_712 = arith.cmpi eq, %iota3A, %eq3A_711 : vector<64x8192xi32>
    %jit3A_713 = arith.constant 0x7F800000 : f32
    %broadcast_in_dim3A_714 = vector.broadcast %jit3A_713 : f32 to vector<64x8192xf32>
    %select_n3A_715 = arith.select %eq3A_712, %broadcast_in_dim3A_714, %select_n3A_693 : vector<64x8192xi1>, vector<64x8192xf32>
    %reduce_min3A_716 = arith.constant dense<0x7F800000> : vector<64xf32>
    %reduce_min3A_717 = vector.multi_reduction <minimumf>, %select_n3A_715, %reduce_min3A_716 [1] : vector<64x8192xf32> to vector<64xf32>
    %broadcast_in_dim3A_718 = vector.shape_cast %reduce_min3A_717 : vector<64xf32> to vector<64x1xf32>
    %eq3A_719 = vector.broadcast %broadcast_in_dim3A_718 : vector<64x1xf32> to vector<64x8192xf32>
    %eq3A_720 = arith.cmpf oeq, %select_n3A_715, %eq3A_719 : vector<64x8192xf32>
    %jit3A_721 = arith.constant 8192 : i32
    %broadcast_in_dim3A_722 = vector.broadcast %jit3A_721 : i32 to vector<64x8192xi32>
    %select_n3A_723 = arith.select %eq3A_720, %iota3A, %broadcast_in_dim3A_722 : vector<64x8192xi1>, vector<64x8192xi32>
    %reduce_min3A_724 = arith.constant dense<2147483647> : vector<64xi32>
    %reduce_min3A_725 = vector.multi_reduction <minsi>, %select_n3A_723, %reduce_min3A_724 [1] : vector<64x8192xi32> to vector<64xi32>
    %broadcast_in_dim3A_726 = vector.shape_cast %reduce_min3A_725 : vector<64xi32> to vector<64x1xi32>
    %swap3A_727 = arith.constant 0 : index
    %swap3A_728 = arith.constant 0 : index
    %swap3A_729 = arith.constant 31 : index
    %swap3A_730 = vector.load %arg8[%swap3A_727, %swap3A_728, %swap3A_729] : memref<1x64x32xi32, #tpu.memory_space<vmem>>, vector<1x64x1xi32>
    %swap3A_731 = vector.shape_cast %swap3A_730 : vector<1x64x1xi32> to vector<64x1xi32>
    %swap3A_732 = vector.shape_cast %broadcast_in_dim3A_726 : vector<64x1xi32> to vector<1x64x1xi32>
    tpu.vector_store %arg8[%swap3A_727, %swap3A_728, %swap3A_729], %swap3A_732 {strides = array<i32>} : memref<1x64x32xi32, #tpu.memory_space<vmem>>, vector<1x64x1xi32>,
    return
  }
  func.func @transform_0(%arg0: i32, %arg1: i32) -> (i32, i32, i32) {
    %c0_i32 = arith.constant 0 : i32
    %c0_i32_0 = arith.constant 0 : i32
    return %arg0, %arg1, %c0_i32 : i32, i32, i32
  }
  func.func @transform_1(%arg0: i32, %arg1: i32) -> (i32, i32, i32) {
    %c0_i32 = arith.constant 0 : i32
    %c0_i32_0 = arith.constant 0 : i32
    return %arg0, %arg1, %c0_i32 : i32, i32, i32
  }
  func.func @transform_2(%arg0: i32, %arg1: i32) -> (i32, i32, i32) {
    %c0_i32 = arith.constant 0 : i32
    %c0_i32_0 = arith.constant 0 : i32
    return %arg0, %arg1, %c0_i32 : i32, i32, i32
  }
  func.func @transform_3(%arg0: i32, %arg1: i32) -> (i32, i32, i32) {
    %c0_i32 = arith.constant 0 : i32
    %c0_i32_0 = arith.constant 0 : i32
    %c0_i32_1 = arith.constant 0 : i32
    return %arg0, %c0_i32, %c0_i32_0 : i32, i32, i32
  }
  func.func @transform_4(%arg0: i32, %arg1: i32) -> (i32, i32, i32) {
    %c0_i32 = arith.constant 0 : i32
    %c0_i32_0 = arith.constant 0 : i32
    %c0_i32_1 = arith.constant 0 : i32
    return %arg0, %c0_i32, %c0_i32_0 : i32, i32, i32
  }
  func.func @transform_5(%arg0: i32, %arg1: i32) -> (i32, i32, i32) {
    %c0_i32 = arith.constant 0 : i32
    %c0_i32_0 = arith.constant 0 : i32
    %c0_i32_1 = arith.constant 0 : i32
    return %arg0, %c0_i32, %c0_i32_0 : i32, i32, i32
  }
  func.func @transform_6(%arg0: i32, %arg1: i32) -> (i32, i32, i32) {
    %c0_i32 = arith.constant 0 : i32
    %c0_i32_0 = arith.constant 0 : i32
    return %arg0, %arg1, %c0_i32 : i32, i32, i32
  }
}

</mosaic_0001>

<sc_bundles>
// kernel: kernel.5.cloned.1.call-start
scs
__scs_entry_jumppad:
0x0: {  	(pc) =	sbr.rel $0x88, $3  }
0x1: {  	(tag) =	ssettag $0x0;
	lr =	simm.s32 $0x1  }
0x2: {  	[smem:$0x3FA0] =	sst lr;
	_ =	strace $0xD0000000  }
0x3: {  	_ = 	snop  }
0x4: {  	_ = 	snop  }
0x5: {  	_ = 	snop  }
0x6: {  	_ = 	snop  }
0x7: {  	_ = 	snop  }
__scs_overlays_trampoline_lowered:
0x8: {  	[smem:$0x3FAF] =	sst s0  }
0x9: {  	[smem:$0x3FB0] =	sst s1  }
0xa: {  	[smem:$0x3FB1] =	sst s2  }
0xb: {  	[smem:$0x3FB2] =	sst s3  }
0xc: {  	[smem:$0x3FB3] =	sst s4  }
0xd: {  	[smem:$0x3FB4] =	sst s5  }
0xe: {  	[smem:$0x3FB5] =	sst s6  }
0xf: {  	[smem:$0x3FB6] =	sst s7  }
0x10: {  	[smem:$0x3FB7] =	sst s8  }
0x11: {  	[smem:$0x3FB8] =	sst s9;
	s0 =	simm.s32 @!p0 $0x0  }
0x12: {  	s1 =	sld [smem:$0x3F9E];
	s0 =	simm.s32 @p0 $0x1  }
0x13: {  	[smem:$0x3FB9] =	sst s0;
	s0 =	simm.s32 @!p1 $0x0  }
0x14: {  	s2 =	sld [smem:$0x3F9D];
	s0 =	simm.s32 @p1 $0x1  }
0x15: {  	[smem:$0x3FBA] =	sst s0;
	s0 =	simm.s32 @!p2 $0x0  }
0x16: {  	s3 =	sld [smem:$0x3FDB];
	s0 =	simm.s32 @p2 $0x1  }
0x17: {  	s4 =	simm.s32 $0x1BF5;
	[smem:$0x3FBC] =	sst s0  }
0x18: {  	s0 =	sld [smem:$0x3F9F];
	_ =	swait.ge [sflag:s4], $0x0  }
0x19: {  	s7 =	sld [smem:$0x3FA0]  }
0x1a: {  	s8 =	sadd.s32 $0xFFFFE003, lr  }
0x1b: {  	s9 =	sadd.s32 $0xFFFFFEF7, lr;
	s5 =	simm.s32 $0xFFFFFFFF;
	p2 =	slt.u32 s8, $0xFFFFF086  }
0x1c: {  	p1 =	slt.u32 s9, $0xF7A;
	s5 =	simm.s32 @!p2 $0x0  }
0x1d: {  	s5 =	simm.s32 @p1 $0x1;
	p0 =	seq.s32 s7, s2  }
0x1e: {  	s7 =	smul.u32 @!p0 $0xF7A, s2;
	p2 =	seq.s32 @!p0 s5, $0x0  }
0x1f: {  	s9 =	smul.u32 $0xF7A, s1;
	s8 =	simm.s32 @!p0 $0x1BF5;
	p2 =	por !p2, p0  }
0x20: {  	[sflag:s8] =	ssyncset.s32 @!p0 $0xFFFFF086;
	s6 =	sadd.s32 @!p0 s3, s7;
	s7 =	simm.s32 @!p0 $0x108  }
0x21: {  	s3 =	sadd.s32 s3, s9;
	s6 =	sadd.s32 @!p0 $0x88, s6;
	s7 =	simm.s32 @p2 $0x1082  }
0x22: {  	[simem:s7], [sflag:s8] =	dma.local @!p0 [hbm:s6], $0xF7A  }
0x23: {  	s9 =	sor.u32 $0xD0000000, s2;
	s6 =	simm.s32 $0x108;
	_ =	swait.ge @!p0 [sflag:s8], $0x0  }
0x24: {  	s3 =	sadd.s32 $0x88, s3;
	s6 =	simm.s32 @!p1 $0x1082;
	[sflag:s4] =	ssyncset.s32 $0xFFFFF086  }
0x25: {  	[simem:s6], [sflag:s4] =	dma.local [hbm:s3], $0xF7A  }
0x26: {  	[smem:$0x3FA0] =	sst s1;
	(tag) =	ssettag s2;
	_ =	strace s9  }
0x27: {  	s1 =	sld [smem:$0x3FB0]  }
0x28: {  	s2 =	sld [smem:$0x3FB1]  }
0x29: {  	s4 =	sld [smem:$0x3FB3]  }
0x2a: {  	p0 =	seq.s32 s5, $0x0;
	s5 =	sld [smem:$0x3FB4]  }
0x2b: {  	s6 =	sld [smem:$0x3FB5]  }
0x2c: {  	s7 =	sld [smem:$0x3FB6]  }
0x2d: {  	s3 =	simm.s32 $0x108;
	s8 =	sld [smem:$0x3FB7]  }
0x2e: {  	s3 =	simm.s32 @!p0 $0x1082;
	s9 =	sld [smem:$0x3FB8]  }
0x2f: {  	lr =	sadd.s32 s0, s3;
	s0 =	sld [smem:$0x3FAF]  }
0x30: {  	s3 =	sld [smem:$0x3FB2]  }
0x31: {  	[smem:$0x3FBB] =	sst s10  }
0x32: {  	s10 =	sld [smem:$0x3FB9];
	_ =	sdelay $0x3  }
0x33: {  	p0 =	seq.s32 s10, $0x1;
	s10 =	sld [smem:$0x3FBB];
	_ =	sdelay $0x3  }
0x34: {  	[smem:$0x3FBB] =	sst s10  }
0x35: {  	s10 =	sld [smem:$0x3FBA];
	_ =	sdelay $0x3  }
0x36: {  	p1 =	seq.s32 s10, $0x1;
	s10 =	sld [smem:$0x3FBB];
	_ =	sdelay $0x3  }
0x37: {  	[smem:$0x3FBB] =	sst s10  }
0x38: {  	s10 =	sld [smem:$0x3FBC]  }
0x39: {  	_ = 	snop;
	(pc) =	sbr.ind lr, $3  }
0x3a: {  	_ = 	snop  }
0x3b: {  	_ = 	snop  }
0x3c: {  	p2 =	seq.s32 s10, $0x1;
	s10 =	sld [smem:$0x3FBB]  }
0x3d: {  	_ =	shalt  }
0x3e: {  	_ =	shalt  }
0x3f: {  	_ =	shalt  }
0x40: {  	_ =	shalt  }
0x41: {  	_ =	shalt  }
0x42: {  	_ =	shalt  }
0x43: {  	_ =	shalt  }
0x44: {  	_ =	shalt  }
0x45: {  	_ =	shalt  }
0x46: {  	_ =	shalt  }
0x47: {  	_ =	shalt  }
0x48: {  	_ =	shalt  }
0x49: {  	_ =	shalt  }
0x4a: {  	_ =	shalt  }
0x4b: {  	_ =	shalt  }
0x4c: {  	_ =	shalt  }
0x4d: {  	_ =	shalt  }
0x4e: {  	_ =	shalt  }
0x4f: {  	_ =	shalt  }
0x50: {  	_ =	shalt  }
0x51: {  	_ =	shalt  }
0x52: {  	_ =	shalt  }
0x53: {  	_ =	shalt  }
0x54: {  	_ =	shalt  }
0x55: {  	_ =	shalt  }
0x56: {  	_ =	shalt  }
0x57: {  	_ =	shalt  }
0x58: {  	_ =	shalt  }
0x59: {  	_ =	shalt  }
0x5a: {  	_ =	shalt  }
0x5b: {  	_ =	shalt  }
0x5c: {  	_ =	shalt  }
0x5d: {  	_ =	shalt  }
0x5e: {  	_ =	shalt  }
0x5f: {  	_ =	shalt  }
0x60: {  	_ =	shalt  }
0x61: {  	_ =	shalt  }
0x62: {  	_ =	shalt  }
0x63: {  	_ =	shalt  }
0x64: {  	_ =	shalt  }
0x65: {  	_ =	shalt  }
0x66: {  	_ =	shalt  }
0x67: {  	_ =	shalt  }
0x68: {  	_ =	shalt  }
0x69: {  	_ =	shalt  }
0x6a: {  	_ =	shalt  }
0x6b: {  	_ =	shalt  }
0x6c: {  	_ =	shalt  }
0x6d: {  	_ =	shalt  }
0x6e: {  	_ =	shalt  }
0x6f: {  	_ =	shalt  }
0x70: {  	_ =	shalt  }
0x71: {  	_ =	shalt  }
0x72: {  	_ =	shalt  }
0x73: {  	_ =	shalt  }
0x74: {  	_ =	shalt  }
0x75: {  	_ =	shalt  }
0x76: {  	_ =	shalt  }
0x77: {  	_ =	shalt  }
0x78: {  	_ =	shalt  }
0x79: {  	_ =	shalt  }
0x7a: {  	_ =	shalt  }
0x7b: {  	_ =	shalt  }
0x7c: {  	_ =	shalt  }
0x7d: {  	_ =	shalt  }
0x7e: {  	_ =	shalt  }
0x7f: {  	_ =	shalt  }
0x80: {  	_ =	shalt  }
0x81: {  	_ =	shalt  }
0x82: {  	_ =	shalt  }
0x83: {  	_ =	shalt  }
0x84: {  	_ =	shalt  }
0x85: {  	_ =	shalt  }
0x86: {  	_ =	shalt  }
0x87: {  	_ =	shalt  }
.Lfunc_end0:
.L_simem_size_0:
called_computation_lowered:
.L_overlay_start_0:
0x88: {  	s2 =	sld [smem:$0x3FD9]  }
0x89: {  	s3 =	sld [smem:$0x3FFE];
	_ =	sdelay $0x1  }
0x8a: {  	s1 =	srdreg.scid  }
0x8b: {  	s0 =	sand.u32 $0x1, s1  }
0x8c: {  	s14 =	sshll.u32 s0, $0xA;
	s2 =	sadd.s32 s3, s2  }
0x8d: {  	s2 =	sadd.s32 s2, s14  }
0x8e: {  	[smem:$0x3FC7] =	sst s2  }
0x8f: {  	_ = 	snop  }
0x90: {  	s2 =	sld [smem:$0x3FD0];
	_ =	sdelay $0x2  }
0x91: {  	s15 =	simm.s32 $0xA;
	s4 =	simm.s32 $0x10  }
0x92: {  	[smem:s4], [sflag:s15] =	dma.local [hbm:s2], $0x1  }
0x93: {  	_ =	swait.eq [sflag:s15], $0x1  }
0x94: {  	[sflag:s15] =	ssyncset.done $0x0  }
0x95: {  	[sflag:s15] =	ssyncadd.s32 $0xFFFFFFFF  }
0x96: {  	s16 =	sld [smem:$0x10];
	(tm) =	ssettm $0x1  }
0x97: {  	s17 =	sld [smem:$0x3FFB];
	_ =	sdelay $0x3  }
0x98: {  	_ =	strace s17  }
0x99: {  	s3 =	sld [smem:$0x3FFC];
	_ =	sdelay $0x3  }
0x9a: {  	_ =	strace s3  }
0x9b: {  	s3 =	sld [smem:$0x3FFD];
	_ =	sdelay $0x3  }
0x9c: {  	_ =	strace s3  }
0x9d: {  	_ =	strace $0x8FFFFFFF  }
0x9e: {  	s18 =	sld [smem:$0x3FDB];
	_ =	sdelay $0x1  }
0x9f: {  	s19 =	simm.s32 $_scs_section_size  }
0xa0: {  	s5 =	simm.s32 $_size__tile_overlayer_lowered;
	s6 =	simm.s32 $_tile_overlayer_lowered  }
0xa1: {  	s22 =	simm.s32 $0x1BFF;
	s21 =	sshll.u32 s6, $0x1;
	s3 =	sadd.s32 s19, s18  }
0xa2: {  	s7 =	simm.s32 $0x0;
	s20 =	sshll.u32 s5, $0x1;
	s5 =	sadd.s32 s21, s3  }
0xa3: {  	[timem:s7], [sflag:s22] =	dma.local [hbm:s5], s20  }
0xa4: {  	_ =	swait.ge [sflag:s22], s20  }
0xa5: {  	s4 =	ssub.s32 $0x0, s20;
	[sflag:s22] =	ssyncset.done $0x0  }
0xa6: {  	[sflag:s22] =	ssyncadd.s32 s4;
	_ =	sdelay $0x1  }
0xa7: {  	s23 =	simm.s32 $0x1B8B  }
0xa8: {  	_ =	swait.ge [sflag:s23], $0x1  }
0xa9: {  	[sflag:s23] =	ssyncset.done $0x0  }
0xaa: {  	s25 =	simm.s32 $0x1B8E;
	s24 =	sld [smem:$0x3FFE];
	[sflag:s23] =	ssyncadd.s32 $0xFFFFFFFF  }
0xab: {  	s26 =	simm.s32 $execute0_lowered;
	[smem:$0x3FD2] =	sst s25  }
0xac: {  	s5 =	sshll.u32 s26, $0x1;
	_ =	strace $0x80000046;
	[dreg:$0x1] =	wrdreg $0xFFFFFFFF  }
0xad: {  	s28 =	simm.s32 $_size_execute0_lowered;
	s3 =	sadd.s32 s3, s5;
	[dreg:$0x0] =	wrdreg $0x0  }
0xae: {  	s5 =	sshll.u32 s28, $0x1;
	[dreg:$0x2] =	wrdreg s3  }
0xaf: {  	[dreg:$0x3] =	wrdreg s5  }
0xb0: {  	[dreg:$0x4] =	wrdreg $0xC0  }
0xb1: {  	_ =	task [dreg:s7], $0x5FFFF  }
0xb2: {  	[dreg:$0x1] =	wrdreg $0xFFFFFFFF  }
0xb3: {  	[dreg:$0x0] =	wrdreg $0x60  }
0xb4: {  	[dreg:$0x2] =	wrdreg s24  }
0xb5: {  	[dreg:$0x3] =	wrdreg s16  }
0xb6: {  	[dreg:$0x4] =	wrdreg $0x9  }
0xb7: {  	_ =	task.clear_ibuf [dreg:s7], $0x5FFFF;
	_ =	strace $0x90000046  }
0xb8: {  	s29 =	simm.s32 $0x9;
	_ =	strace $0x80000048  }
0xb9: {  	_ =	swait.ge [sflag:s29], $0x1  }
0xba: {  	[sflag:s29] =	ssyncadd.s32 $0xFFFFFFFF  }
0xbb: {  	_ =	strace $0x90000048  }
0xbc: {  	_ =	sfence  }
0xbd: {  	s30 =	sld [smem:$0x0];
	_ =	sdelay $0x2  }
0xbe: {  	s31 =	sshll.u32 s1, $0xD;
	s1 =	sshrl.u32 s1, $0x2  }
0xbf: {  	s3 =	sand.u32 $0x4000, s31;
	s1 =	sadd.s32 s1, s30  }
0xc0: {  	s0 =	sor.u32 s3, s0;
	s1 =	sshll.u32 s1, $0x11  }
0xc1: {  	s0 =	sor.u32 s1, s0  }
0xc2: {  	s0 =	sadd.s32 $0x8F2B, s0  }
0xc3: {  	[sflag:s0] =	ssyncadd.remote.s32 $0x1  }
0xc4: {  	_ =	sfence.sel $0xFFFF  }
0xc5: {  	[dreg:$0x0] =	wrdreg $0xFFFFFFFF;
	(pc) =	sbr.abs _section_cstart, $3  }
0xc6: {  	[dreg:$0x1] =	wrdreg $0xFFFFFFFF  }
0xc7: {  	_ =	task.clear_ibuf [dreg:s7], $0x2FFFF;
	_ =	strace $0x9FFFFFFF  }
0xc8: {  	(tm) =	ssettm $0x7FFFFFFF  }
0xc9: {  	_ =	shalt  }
tec
execute0_lowered:
.L_overlay_start_1:
0x0: {  	(tag) =	ssettag $0x1  }
0x1: {  	s0 =	rddreg [dreg:$0x0]  }
0x2: {  	s6 =	rddreg [dreg:$0x1];
	s2 =	simm.s32 $0x0;
	s3 =	srdreg.scid  }
0x3: {  	s1 =	stileid.u32;
	s14 =	simm.s32 $0x1;
	s15 =	simm.s32 $0x2000  }
0x4: {  	s16 =	simm.s32 $0x4000;
	s17 =	simm.s32 $0x80;
	s18 =	simm.s32 $0x400  }
0x5: {  	s19 =	simm.s32 $0x6000;
	s20 =	simm.s32 $0x7000;
	s21 =	simm.s32 $0x7080  }
0x6: {  	s22 =	simm.s32 $0x7100;
	s23 =	simm.s32 $0x7180;
	s24 =	simm.s32 $0x8180  }
0x7: {  	s25 =	simm.s32 $0x9180;
	s26 =	simm.s32 $0x0;
	[smem:$0x7FF] =	sst s2  }
0x8: {  	s3 =	sand.u32 $0x1, s3;
	s4 =	sshll.u32 s1, $0x5;
	s7 =	sshll.u32 s1, $0x9  }
0x9: {  	s30 =	sshll.u32 s1, $0xA;
	_ =	strace $0x80000047;
	s5 =	sshll.u32 s3, $0x4  }
0xa: {  	s7 =	sand.u32 $0x1C00, s7;
	s3 =	ssub.s32 $0x2, s3;
	s4 =	sor.u32 s5, s4  }
0xb: {  	s7 =	sadd.s32 s7, s0;
	s31 =	sshrl.u32 s3, $0x1;
	s5 =	sor.u32 s30, s4  }
0xc: {  	s9 =	sadd.s32 s4, s0;
	s13 =	ssub.s32 s3, s31;
	s3 =	sadd.s32 $0x1400, s7  }
0xd: {  	s4 =	sadd.s32 $0x5400, s7;
	s8 =	sand.u32 $0x3070, s5;
	s5 =	sadd.s32 $0x3400, s7  }
0xe: {  	s7 =	sadd.s32 $0x7400, s9;
	s13 =	smax.u32 s13, $0x1;
	s0 =	sadd.s32 s8, s0  }
0xf: {  	s6 =	sadd.s32 s6, s8;
	s8 =	sadd.s32 $0x7600, s9;
	s9 =	sadd.s32 $0x7800, s9  }
0x10: {  	s10 =	sadd.s32 $0xFA00, s0;
	s11 =	sadd.s32 $0xBA00, s0;
	s12 =	sadd.s32 $0x7A00, s0  }
.LBB2_1:
0x11: {  	[tilespmem:s2], [sflag:$0x1] =	stream.linear.gather [hbm4b:s3+s2], $0x2000, $0x38;
	[tilespmem:$0xA180] =	vst v63  }
0x12: {  	_ =	swait.ge [sflag:s14], $0x2000  }
0x13: {  	[sflag:s14] =	ssyncset.done $0x0  }
0x14: {  	[sflag:s14] =	ssyncadd.s32 $0xFFFFE000  }
0x15: {  	[tilespmem:s15], [sflag:$0x1] =	stream.linear.gather [hbm4b:s4+s2], $0x2000, $0x38;
	[tilespmem:$0xA180] =	vst v63  }
0x16: {  	_ =	swait.ge [sflag:s14], $0x2000  }
0x17: {  	[sflag:s14] =	ssyncset.done $0x0  }
0x18: {  	[sflag:s14] =	ssyncadd.s32 $0xFFFFE000  }
0x19: {  	[tilespmem:s16], [sflag:$0x1] =	stream.linear.gather [hbm4b:s5+s2], $0x2000, $0x38;
	[tilespmem:$0xA180] =	vst v63  }
0x1a: {  	_ =	swait.ge [sflag:s14], $0x2000  }
0x1b: {  	[sflag:s14] =	ssyncset.done $0x0  }
0x1c: {  	[sflag:s14] =	ssyncadd.s32 $0xFFFFE000  }
0x1d: {  	[tilespmem:s19], [sflag:$0x1] =	stream.strided.gather [hbm4b:s6+s17], $0x1000, s18, s17, $0x38;
	[tilespmem:$0xA180] =	vst v63  }
0x1e: {  	_ =	swait.ge [sflag:s14], $0x1000  }
0x1f: {  	[sflag:s14] =	ssyncset.done $0x0  }
0x20: {  	[sflag:s14] =	ssyncadd.s32 $0xFFFFF000  }
0x21: {  	[tilespmem:s20], [sflag:$0x1] =	stream.linear.gather [hbm4b:s7+s2], $0x80, $0x38;
	[tilespmem:$0xA180] =	vst v63  }
0x22: {  	_ =	swait.ge [sflag:s14], $0x80  }
0x23: {  	[sflag:s14] =	ssyncset.done $0x0  }
0x24: {  	[sflag:s14] =	ssyncadd.s32 $0xFFFFFF80  }
0x25: {  	[tilespmem:s21], [sflag:$0x1] =	stream.linear.gather [hbm4b:s8+s2], $0x80, $0x38;
	[tilespmem:$0xA180] =	vst v63  }
0x26: {  	_ =	swait.ge [sflag:s14], $0x80  }
0x27: {  	[sflag:s14] =	ssyncset.done $0x0  }
0x28: {  	[sflag:s14] =	ssyncadd.s32 $0xFFFFFF80  }
0x29: {  	[tilespmem:s22], [sflag:$0x1] =	stream.linear.gather [hbm4b:s9+s2], $0x80, $0x38;
	[tilespmem:$0xA180] =	vst v63  }
0x2a: {  	s28 =	simm.s32 $0x9190;
	_ =	swait.ge [sflag:s14], $0x80  }
0x2b: {  	s29 =	simm.s32 $0x8190;
	s30 =	simm.s32 $0x7190;
	[sflag:s14] =	ssyncset.done $0x0  }
0x2c: {  	s31 =	simm.s32 $0x6010;
	s0 =	simm.s32 $0x0;
	[sflag:s14] =	ssyncadd.s32 $0xFFFFFF80  }
.LBB2_2:
0x2d: {  	v0 =	vld [tilespmem:s31+$0xFFFFFFF0];
	_ =	sdelay $0x1  }
0x2e: {  	v1 =	vmov s0;
	_ =	sdelay $0x4  }
0x2f: {  	v2 =	vld.idx.msk [tilespmem:v1+s20+$0x0], $0xffff  }
0x30: {  	v3 =	vld.idx.msk [tilespmem:v0+s2+$0x0], $0xffff;
	_ =	sdelay $0x4  }
0x31: {  	v3 =	vsub.f32 v3, v2  }
0x32: {  	v4 =	vld.idx.msk [tilespmem:v1+s21+$0x0], $0xffff  }
0x33: {  	v1 =	vld.idx.msk [tilespmem:v1+s22+$0x0], $0xffff;
	[tilespmem:s30+$0xFFFFFFF0] =	vst v3  }
0x34: {  	v3 =	vld.idx.msk [tilespmem:v0+s15+$0x0], $0xffff;
	_ =	sdelay $0x4  }
0x35: {  	v3 =	vsub.f32 v3, v4;
	_ =	sdelay $0x1  }
0x36: {  	[tilespmem:s29+$0xFFFFFFF0] =	vst v3  }
0x37: {  	v0 =	vld.idx.msk [tilespmem:v0+s16+$0x0], $0xffff;
	_ =	sdelay $0x4  }
0x38: {  	v0 =	vsub.f32 v0, v1;
	_ =	sdelay $0x1  }
0x39: {  	[tilespmem:s28+$0xFFFFFFF0] =	vst v0  }
0x3a: {  	v0 =	vld [tilespmem:s31+$0x0];
	_ =	sdelay $0x7  }
0x3b: {  	v3 =	vld.idx.msk [tilespmem:v0+s2+$0x0], $0xffff;
	_ =	sdelay $0x4  }
0x3c: {  	v2 =	vsub.f32 v3, v2;
	_ =	sdelay $0x1  }
0x3d: {  	[tilespmem:s30+$0x0] =	vst v2  }
0x3e: {  	v2 =	vld.idx.msk [tilespmem:v0+s15+$0x0], $0xffff;
	_ =	sdelay $0x4  }
0x3f: {  	v2 =	vsub.f32 v2, v4;
	_ =	sdelay $0x1  }
0x40: {  	[tilespmem:s29+$0x0] =	vst v2  }
0x41: {  	v0 =	vld.idx.msk [tilespmem:v0+s16+$0x0], $0xffff;
	_ =	sdelay $0x1  }
0x42: {  	p0 =	sne.s32 s0, $0x7F  }
.Ltmp0:
0x43: {  	_ = 	snop;
	(pc) =	sbr.rel @p0 .LBB2_2-.Ltmp0, $4  }
0x44: {  	_ = 	snop  }
0x45: {  	v0 =	vsub.f32 v0, v1  }
0x46: {  	s0 =	sadd.s32 $0x1, s0;
	s31 =	sadd.s32 $0x20, s31  }
0x47: {  	s30 =	sadd.s32 $0x20, s30;
	s29 =	sadd.s32 $0x20, s29;
	[tilespmem:s28+$0x0] =	vst v0;
	s28 =	sadd.s32 $0x20, s28  }
0x48: {  	[hbm4b:s10+s17] =	stream.strided.scatter [tilespmem:s23], [sflag:$0x1], $0x1000, s18, s17, $0x38;
	[tilespmem:$0xA180] =	vst v63  }
0x49: {  	_ =	swait.ge [sflag:s14], $0x1000  }
0x4a: {  	[sflag:s14] =	ssyncset.done $0x0  }
0x4b: {  	[sflag:s14] =	ssyncadd.s32 $0xFFFFF000  }
0x4c: {  	[hbm4b:s11+s17] =	stream.strided.scatter [tilespmem:s24], [sflag:$0x1], $0x1000, s18, s17, $0x38;
	[tilespmem:$0xA180] =	vst v63  }
0x4d: {  	s26 =	sadd.s32 $0x1, s26;
	_ =	swait.ge [sflag:s14], $0x1000  }
0x4e: {  	p0 =	sne.s32 s26, s13;
	[sflag:s14] =	ssyncset.done $0x0  }
.Ltmp1:
0x4f: {  	[sflag:s14] =	ssyncadd.s32 $0xFFFFF000;
	(pc) =	sbr.rel @p0 .LBB2_1-.Ltmp1, $4  }
0x50: {  	[hbm4b:s12+s17] =	stream.strided.scatter [tilespmem:s25], [sflag:$0x1], $0x1000, s18, s17, $0x38;
	[tilespmem:$0xA180] =	vst v63  }
0x51: {  	_ =	swait.ge [sflag:s14], $0x1000  }
0x52: {  	[sflag:s14] =	ssyncset.done $0x0  }
0x53: {  	[sflag:s14] =	ssyncadd.s32 $0xFFFFF000  }
0x54: {  	_ =	sfence.sel $0x180000  }
0x55: {  	[bflag:$0x0] =	sbarrier.arrive $0xFFFF  }
0x56: {  	_ =	strace $0x90000047  }
0x57: {  	[bflag:$0x2] =	sbarrier.arrive $0xFFFF  }
0x58: {  	p0 =	sne.s32 s1, $0x0;
	s0 =	rddreg [dreg:$0x2]  }
0x59: {  	s0 =	sadd.s32 @!p0 $0x100000, s0  }
0x5a: {  	[sflag:s0] =	ssyncadd.tile.s32 @!p0 $0x1;
	_ =	shalt  }
.Lfunc_end2:
_tile_overlayer_lowered:
.L_overlay_start_2:
0x5b: {  	(tag) =	ssettag $0x2  }
0x5c: {  	s0 =	rddreg [dreg:$0x0];
	s2 =	stileid.u32  }
0x5d: {  	s1 =	rddreg [dreg:$0x1];
	p0 =	sne.s32 s2, $0x0  }
0x5e: {  	s3 =	rddreg [dreg:$0x2];
	[bflag:$0x3] =	sbarrier.arrive $0xFFFF;
	s2 =	simm.s32 @!p0 $0x1C01  }
0x5f: {  	[timem:s3], [sflag:s2] =	dma.local @!p0 [hbm:s0], s1  }
0x60: {  	s0 =	simm.s32 @!p0 $0x1  }
0x61: {  	_ =	swait.ge @!p0 [sflag:s0], s1  }
0x62: {  	s1 =	ssub.s32 @!p0 $0x0, s1;
	[sflag:s0] =	ssyncset.done @!p0 $0x0  }
0x63: {  	[sflag:s0] =	ssyncadd.s32 @!p0 s1  }
0x64: {  	[bflag:$0x3] =	sbarrier.arrive $0xFFFF  }
0x65: {  	_ =	shalt  }

</sc_bundles>
